<compile_context>
chip_gen: v7x
topology: tpu7x:2x2x1
jax: 0.10.2.dev20260603
libtpu: 0.0.44.dev20260713+nightly
codegen_flags: <defaults>
</compile_context>

<pallas_src>
import functools

import jax
import jax.numpy as jnp
from jax import lax
from jax.experimental import pallas as pl
from jax.experimental.pallas import tpu as pltpu
from jax.experimental.pallas import tpu_sc as plsc

_NC = 2
_NS = 16
_NW = _NC * _NS

_T = 256


def _scatter_rows(x, pos, out_rows, chunk):
    m, d0, d1 = x.shape
    rows_per_w = m // _NW
    n_chunks = rows_per_w // chunk
    posr = pos.reshape(_NW, n_chunks, chunk)
    mesh = plsc.VectorSubcoreMesh(core_axis_name="c", subcore_axis_name="s")

    @functools.partial(
        pl.kernel,
        mesh=mesh,
        out_type=jax.ShapeDtypeStruct((out_rows, d0, d1), jnp.float32),
        scratch_types=[
            pltpu.VMEM((n_chunks, chunk), jnp.int32),
            pltpu.VMEM((chunk, d0, d1), jnp.float32),
            pltpu.VMEM((chunk, d0, d1), jnp.float32),
            pltpu.VMEM((chunk, d0, d1), jnp.float32),
            pltpu.SemaphoreType.DMA,
            pltpu.SemaphoreType.DMA,
            pltpu.SemaphoreType.DMA,
            pltpu.SemaphoreType.DMA,
            pltpu.SemaphoreType.DMA,
            pltpu.SemaphoreType.DMA,
        ],
    )
    def sk(x_hbm, pos_hbm, out_hbm, idx_v, buf0, buf1, buf2,
           r0, r1, r2, w0, w1, w2):
        wid = lax.axis_index("s") * _NC + lax.axis_index("c")
        base = wid * rows_per_w
        pltpu.sync_copy(pos_hbm.at[wid], idx_v)
        bufs, rsem, wsem = (buf0, buf1, buf2), (r0, r1, r2), (w0, w1, w2)
        reads = [None] * n_chunks
        writes = [None] * n_chunks
        reads[0] = pltpu.async_copy(
            x_hbm.at[pl.ds(base, chunk)], bufs[0], rsem[0]
        )
        if n_chunks > 1:
            reads[1] = pltpu.async_copy(
                x_hbm.at[pl.ds(base + chunk, chunk)], bufs[1], rsem[1]
            )
        for c in range(n_chunks):
            b = c % 3
            reads[c].wait()
            writes[c] = pltpu.async_copy(
                bufs[b], out_hbm.at[idx_v.at[c]], wsem[b]
            )
            if c + 2 < n_chunks:
                nb = (c + 2) % 3
                if c >= 1:
                    writes[c - 1].wait()
                reads[c + 2] = pltpu.async_copy(
                    x_hbm.at[pl.ds(base + (c + 2) * chunk, chunk)],
                    bufs[nb],
                    rsem[nb],
                )
        for c in range(max(0, n_chunks - 3), n_chunks):
            writes[c].wait()

    return sk(x, posr)


def _gather_rows(table, idx, out_rows, chunk):
    d = table.shape[1]
    rows_per_w = out_rows // _NW
    n_chunks = rows_per_w // chunk
    mesh = plsc.VectorSubcoreMesh(core_axis_name="c", subcore_axis_name="s")

    @functools.partial(
        pl.kernel,
        mesh=mesh,
        out_type=jax.ShapeDtypeStruct((out_rows, d), jnp.float32),
        scratch_types=[
            pltpu.VMEM((rows_per_w,), jnp.int32),
            pltpu.VMEM((chunk, d), jnp.float32),
            pltpu.VMEM((chunk, d), jnp.float32),
            pltpu.VMEM((chunk, d), jnp.float32),
            pltpu.SemaphoreType.DMA,
            pltpu.SemaphoreType.DMA,
            pltpu.SemaphoreType.DMA,
            pltpu.SemaphoreType.DMA,
            pltpu.SemaphoreType.DMA,
            pltpu.SemaphoreType.DMA,
        ],
    )
    def gk(table_hbm, idx_hbm, out_hbm, idx_v, buf0, buf1, buf2,
           g0, g1, g2, o0, o1, o2):
        wid = lax.axis_index("s") * _NC + lax.axis_index("c")
        base = wid * rows_per_w
        pltpu.sync_copy(idx_hbm.at[pl.ds(base, rows_per_w)], idx_v)
        bufs, gsem, osem = (buf0, buf1, buf2), (g0, g1, g2), (o0, o1, o2)
        gets = [None] * n_chunks
        puts = [None] * n_chunks
        gets[0] = pltpu.async_copy(
            table_hbm.at[idx_v.at[pl.ds(0, chunk)]], bufs[0], gsem[0]
        )
        if n_chunks > 1:
            gets[1] = pltpu.async_copy(
                table_hbm.at[idx_v.at[pl.ds(chunk, chunk)]], bufs[1], gsem[1]
            )
        for c in range(n_chunks):
            b = c % 3
            gets[c].wait()
            puts[c] = pltpu.async_copy(
                bufs[b], out_hbm.at[pl.ds(base + c * chunk, chunk)], osem[b]
            )
            if c + 2 < n_chunks:
                nb = (c + 2) % 3
                if c >= 1:
                    puts[c - 1].wait()
                gets[c + 2] = pltpu.async_copy(
                    table_hbm.at[idx_v.at[pl.ds((c + 2) * chunk, chunk)]],
                    bufs[nb],
                    gsem[nb],
                )
        for c in range(max(0, n_chunks - 3), n_chunks):
            puts[c].wait()

    return gk(table, idx)


def _mm_body(gid_ref, act_ref, x_ref, w_ref, b_ref, o_ref):
    i = pl.program_id(0)
    max_deg = x_ref.shape[1]

    @pl.when(act_ref[i] == 1)
    def _():
        acc = b_ref[0] + jnp.dot(
            x_ref[:, 0, :], w_ref[0, 0], preferred_element_type=jnp.float32
        )
        for j in range(1, max_deg):
            acc = acc + jnp.dot(
                x_ref[:, j, :], w_ref[0, j], preferred_element_type=jnp.float32
            )
        o_ref[...] = acc


def kernel(neighbour_h, node_types, W, b):
    n, max_deg, h = neighbour_h.shape
    n_type, k_dim, n_dim = W.shape

    nblk = n // _T + n_type
    cap = nblk * _T

    t32 = node_types.astype(jnp.int32)
    onehot = (t32[:, None] == jnp.arange(n_type, dtype=jnp.int32)[None, :]).astype(
        jnp.int32
    )
    counts = onehot.sum(axis=0)
    padded = ((counts + _T - 1) // _T) * _T
    pstart = jnp.cumsum(padded) - padded
    oh16 = onehot.astype(jnp.int16)
    rank = jnp.cumsum(oh16, axis=0) - oh16
    rank_t = (rank * oh16).sum(axis=1)
    pos = pstart[t32] + rank_t.astype(jnp.int32)

    nb_g = padded // _T
    blk_end = jnp.cumsum(nb_g)
    blk = jnp.arange(nblk, dtype=jnp.int32)
    blk_gid = (blk[:, None] >= blk_end[None, :]).astype(jnp.int32).sum(axis=1)
    blk_gid = jnp.minimum(blk_gid, n_type - 1)
    blk_act = (blk < blk_end[n_type - 1]).astype(jnp.int32)

    xs = _scatter_rows(neighbour_h, pos, cap, chunk=16)

    grid_spec = pltpu.PrefetchScalarGridSpec(
        num_scalar_prefetch=2,
        grid=(nblk,),
        in_specs=[
            pl.BlockSpec((_T, max_deg, h), lambda i, g, a: (a[i] * i, 0, 0)),
            pl.BlockSpec((1, max_deg, h, n_dim), lambda i, g, a: (g[i], 0, 0, 0)),
            pl.BlockSpec((1, 1, n_dim), lambda i, g, a: (g[i], 0, 0)),
        ],
        out_specs=pl.BlockSpec((_T, n_dim), lambda i, g, a: (i, 0)),
    )
    ys = pl.pallas_call(
        _mm_body,
        grid_spec=grid_spec,
        out_shape=jax.ShapeDtypeStruct((cap, n_dim), jnp.float32),
        compiler_params=pltpu.CompilerParams(
            dimension_semantics=("arbitrary",),
        ),
    )(blk_gid, blk_act, xs, W.reshape(n_type, max_deg, h, n_dim),
      b.reshape(n_type, 1, n_dim))

    out = _gather_rows(ys, pos, n, chunk=32)
    return out

# --- scband reference (transcript-rebuilt; emitter-appended) ---
"""Pipeline reference for scband-typed-aggregator-35218731828092 (READ-ONLY COPY).

The authoritative reference and input builder live on the scoring server;
editing this copy changes nothing except your own understanding.
"""

import jax, jax.numpy as jnp
import numpy as np

H_SIZE = 256
MAX_DEG = 8
N_AGGR = 4
N_TYPE = 8
B = 8192


def setup_inputs(seed: int = 0) -> dict:
    key = jax.random.key(seed)
    k1, k2, k3 = jax.random.split(key, 3)
    neighbour_h = jax.random.normal(k1, (B, MAX_DEG, H_SIZE), dtype=jnp.float32)
    node_types = jax.random.randint(k2, (B,), 0, N_TYPE, dtype=jnp.int64 if jax.config.jax_enable_x64 else jnp.int32)
    # Per-type aggregator cell parameters: each typed cell is a linear aggregator
    # mapping flattened neighbourhood [max_deg*h_size] -> [n_aggr*h_size].
    W = jax.random.normal(k3, (N_TYPE, MAX_DEG * H_SIZE, N_AGGR * H_SIZE), dtype=jnp.float32) * 0.02
    b = jnp.zeros((N_TYPE, N_AGGR * H_SIZE), dtype=jnp.float32)
    return {"neighbour_h": neighbour_h, "node_types": node_types, "W": W, "b": b}


def reference(neighbour_h, node_types, W, b):
    # Faithful translation of TypedAggregator.forward:
    #   ris = zeros((B, n_aggr * h_size))
    #   for each type i: ris[mask] = cell_i(neighbour_h[mask])
    # where cell_i is a per-type linear aggregator over the flattened neighbourhood.
    n = neighbour_h.shape[0]
    x_flat = neighbour_h.reshape(n, MAX_DEG * H_SIZE)
    ris = jnp.zeros((n, N_AGGR * H_SIZE), dtype=jnp.float32)
    for i in range(N_TYPE):
        mask = (node_types == i)
        out_i = x_flat @ W[i] + b[i]
        ris = jnp.where(mask[:, None], out_i, ris)
    return ris

if __name__ == "__main__":
    import jax
    _d = setup_inputs()
    print(jax.jit(kernel)(*tuple(_d.values())))

</pallas_src>

<mosaic_0001>
#map = affine_map<(d0, d1) -> (0, 0, 0)>
module attributes {stable_mosaic.version = 14 : i64} {
  func.func @sk(%arg0: i32, %arg1: i32, %arg2: memref<8192x8x256xf32, #tpu.memory_space<hbm>>, %arg3: memref<32x16x16xi32, #tpu.memory_space<hbm>>, %arg4: memref<10240x8x256xf32, #tpu.memory_space<hbm>>, %arg5: memref<16x16xi32, #tpu.memory_space<vmem>>, %arg6: memref<16x8x256xf32, #tpu.memory_space<vmem>>, %arg7: memref<16x8x256xf32, #tpu.memory_space<vmem>>, %arg8: memref<16x8x256xf32, #tpu.memory_space<vmem>>, %arg9: memref<!tpu.dma_semaphore, #tpu.memory_space<semaphore_mem>>, %arg10: memref<!tpu.dma_semaphore, #tpu.memory_space<semaphore_mem>>, %arg11: memref<!tpu.dma_semaphore, #tpu.memory_space<semaphore_mem>>, %arg12: memref<!tpu.dma_semaphore, #tpu.memory_space<semaphore_mem>>, %arg13: memref<!tpu.dma_semaphore, #tpu.memory_space<semaphore_mem>>, %arg14: memref<!tpu.dma_semaphore, #tpu.memory_space<semaphore_mem>>) attributes {dimension_semantics = [#tpu.dimension_semantics<core_parallel>, #tpu.dimension_semantics<subcore_parallel>], iteration_bounds = array<i64: 2, 16>, scalar_prefetch = 0 : i64, scratch_operands = 10 : i64, tpu.core_type = #tpu.core_type<sc_vector_subcore>, window_params = [{transform_indices = #map}, {transform_indices = #map}, {transform_indices = #map}]} {
    %mul3A = arith.constant 2 : i32
    %mul3A_0 = arith.muli %arg1, %mul3A : i32
    %add3A = arith.addi %mul3A_0, %arg0 : i32
    %mul3A_1 = arith.constant 256 : i32
    %mul3A_2 = arith.muli %add3A, %mul3A_1 : i32
    "tpu.region"() ({
      %run_scoped3A = tpu.sem_alloc : memref<!tpu.dma_semaphore, #tpu.memory_space<semaphore_mem>>
      %dma_start3A_479 = arith.constant 0 : i32
      %dma_start3A_480 = arith.constant 0 : i32
      %dma_start3A_481 = tpu.memref_slice %arg3[%add3A, %dma_start3A_479, %dma_start3A_480] : memref<32x16x16xi32, #tpu.memory_space<hbm>> -> memref<1x16x16xi32, #tpu.memory_space<hbm>>
      %dma_start3A_482 = tpu.memref_squeeze %dma_start3A_481 : memref<1x16x16xi32, #tpu.memory_space<hbm>> -> memref<16x16xi32, #tpu.memory_space<hbm>>
      %dma_start3A_483 = arith.constant 0 : i32
      %dma_start3A_484 = arith.constant 0 : i32
      %dma_start3A_485 = tpu.memref_slice %arg3[%add3A, %dma_start3A_483, %dma_start3A_484] : memref<32x16x16xi32, #tpu.memory_space<hbm>> -> memref<1x16x16xi32, #tpu.memory_space<hbm>>
      %dma_start3A_486 = tpu.memref_squeeze %dma_start3A_485 : memref<1x16x16xi32, #tpu.memory_space<hbm>> -> memref<16x16xi32, #tpu.memory_space<hbm>>
      tpu.enqueue_dma source(%dma_start3A_486 : memref<16x16xi32, #tpu.memory_space<hbm>>) target(%arg5 : memref<16x16xi32, #tpu.memory_space<vmem>>) target_semaphore(%run_scoped3A : memref<!tpu.dma_semaphore, #tpu.memory_space<semaphore_mem>>)
      %dma_wait3A_487 = arith.constant 0 : i32
      %dma_wait3A_488 = arith.constant 0 : i32
      %dma_wait3A_489 = tpu.memref_slice %arg3[%add3A, %dma_wait3A_487, %dma_wait3A_488] : memref<32x16x16xi32, #tpu.memory_space<hbm>> -> memref<1x16x16xi32, #tpu.memory_space<hbm>>
      %dma_wait3A_490 = tpu.memref_squeeze %dma_wait3A_489 : memref<1x16x16xi32, #tpu.memory_space<hbm>> -> memref<16x16xi32, #tpu.memory_space<hbm>>
      %dma_wait3A_491 = arith.constant 0 : i32
      %dma_wait3A_492 = arith.constant 0 : i32
      %dma_wait3A_493 = tpu.memref_slice %arg3[%add3A, %dma_wait3A_491, %dma_wait3A_492] : memref<32x16x16xi32, #tpu.memory_space<hbm>> -> memref<1x16x16xi32, #tpu.memory_space<hbm>>
      %dma_wait3A_494 = tpu.memref_squeeze %dma_wait3A_493 : memref<1x16x16xi32, #tpu.memory_space<hbm>> -> memref<16x16xi32, #tpu.memory_space<hbm>>
      tpu.wait_dma2 semaphore(%run_scoped3A : memref<!tpu.dma_semaphore, #tpu.memory_space<semaphore_mem>>) src(%dma_wait3A_494 : memref<16x16xi32, #tpu.memory_space<hbm>>) dst(%arg5 : memref<16x16xi32, #tpu.memory_space<vmem>>)
      tpu.yield
    }) : () -> ()
    %dma_start3A = arith.constant 0 : i32
    %dma_start3A_3 = arith.constant 0 : i32
    %dma_start3A_4 = tpu.memref_slice %arg2[%mul3A_2, %dma_start3A, %dma_start3A_3] : memref<8192x8x256xf32, #tpu.memory_space<hbm>> -> memref<16x8x256xf32, #tpu.memory_space<hbm>>
    %dma_start3A_5 = arith.constant 0 : i32
    %dma_start3A_6 = arith.constant 0 : i32
    %dma_start3A_7 = tpu.memref_slice %arg2[%mul3A_2, %dma_start3A_5, %dma_start3A_6] : memref<8192x8x256xf32, #tpu.memory_space<hbm>> -> memref<16x8x256xf32, #tpu.memory_space<hbm>>
    tpu.enqueue_dma source(%dma_start3A_7 : memref<16x8x256xf32, #tpu.memory_space<hbm>>) target(%arg6 : memref<16x8x256xf32, #tpu.memory_space<vmem>>) target_semaphore(%arg9 : memref<!tpu.dma_semaphore, #tpu.memory_space<semaphore_mem>>)
    %add3A_8 = arith.constant 16 : i32
    %add3A_9 = arith.addi %mul3A_2, %add3A_8 : i32
    %dma_start3A_10 = arith.constant 0 : i32
    %dma_start3A_11 = arith.constant 0 : i32
    %dma_start3A_12 = tpu.memref_slice %arg2[%add3A_9, %dma_start3A_10, %dma_start3A_11] : memref<8192x8x256xf32, #tpu.memory_space<hbm>> -> memref<16x8x256xf32, #tpu.memory_space<hbm>>
    %dma_start3A_13 = arith.constant 0 : i32
    %dma_start3A_14 = arith.constant 0 : i32
    %dma_start3A_15 = tpu.memref_slice %arg2[%add3A_9, %dma_start3A_13, %dma_start3A_14] : memref<8192x8x256xf32, #tpu.memory_space<hbm>> -> memref<16x8x256xf32, #tpu.memory_space<hbm>>
    tpu.enqueue_dma source(%dma_start3A_15 : memref<16x8x256xf32, #tpu.memory_space<hbm>>) target(%arg7 : memref<16x8x256xf32, #tpu.memory_space<vmem>>) target_semaphore(%arg10 : memref<!tpu.dma_semaphore, #tpu.memory_space<semaphore_mem>>)
    %dma_wait3A = arith.constant 0 : i32
    %dma_wait3A_16 = arith.constant 0 : i32
    %dma_wait3A_17 = tpu.memref_slice %arg2[%mul3A_2, %dma_wait3A, %dma_wait3A_16] : memref<8192x8x256xf32, #tpu.memory_space<hbm>> -> memref<16x8x256xf32, #tpu.memory_space<hbm>>
    %dma_wait3A_18 = arith.constant 0 : i32
    %dma_wait3A_19 = arith.constant 0 : i32
    %dma_wait3A_20 = tpu.memref_slice %arg2[%mul3A_2, %dma_wait3A_18, %dma_wait3A_19] : memref<8192x8x256xf32, #tpu.memory_space<hbm>> -> memref<16x8x256xf32, #tpu.memory_space<hbm>>
    tpu.wait_dma2 semaphore(%arg9 : memref<!tpu.dma_semaphore, #tpu.memory_space<semaphore_mem>>) src(%dma_wait3A_20 : memref<16x8x256xf32, #tpu.memory_space<hbm>>) dst(%arg6 : memref<16x8x256xf32, #tpu.memory_space<vmem>>)
    %dma_start3A_21 = arith.constant 0 : i32
    %dma_start3A_22 = arith.constant 0 : i32
    %dma_start3A_23 = tpu.memref_slice %arg5[%dma_start3A_21, %dma_start3A_22] : memref<16x16xi32, #tpu.memory_space<vmem>> -> memref<1x16xi32, #tpu.memory_space<vmem>>
    %dma_start3A_24 = tpu.memref_squeeze %dma_start3A_23 : memref<1x16xi32, #tpu.memory_space<vmem>> -> memref<16xi32, #tpu.memory_space<vmem>>
    %dma_start3A_25 = arith.constant 0 : i32
    %dma_start3A_26 = arith.constant 0 : i32
    %dma_start3A_27 = arith.constant 0 : i32
    %dma_start3A_28 = tpu.memref_slice %arg4[%dma_start3A_25, %dma_start3A_26, %dma_start3A_27] : memref<10240x8x256xf32, #tpu.memory_space<hbm>> -> memref<10240x8x256xf32, #tpu.memory_space<hbm>>
    tpu.enqueue_indirect_dma source(%arg6 : memref<16x8x256xf32, #tpu.memory_space<vmem>>) target(%dma_start3A_28 : memref<10240x8x256xf32, #tpu.memory_space<hbm>>) offsets(%dma_start3A_24 : memref<16xi32, #tpu.memory_space<vmem>>) semaphore(%arg12 : memref<!tpu.dma_semaphore, #tpu.memory_space<semaphore_mem>>)
    %add3A_29 = arith.constant 32 : i32
    %add3A_30 = arith.addi %mul3A_2, %add3A_29 : i32
    %dma_start3A_31 = arith.constant 0 : i32
    %dma_start3A_32 = arith.constant 0 : i32
    %dma_start3A_33 = tpu.memref_slice %arg2[%add3A_30, %dma_start3A_31, %dma_start3A_32] : memref<8192x8x256xf32, #tpu.memory_space<hbm>> -> memref<16x8x256xf32, #tpu.memory_space<hbm>>
    %dma_start3A_34 = arith.constant 0 : i32
    %dma_start3A_35 = arith.constant 0 : i32
    %dma_start3A_36 = tpu.memref_slice %arg2[%add3A_30, %dma_start3A_34, %dma_start3A_35] : memref<8192x8x256xf32, #tpu.memory_space<hbm>> -> memref<16x8x256xf32, #tpu.memory_space<hbm>>
    tpu.enqueue_dma source(%dma_start3A_36 : memref<16x8x256xf32, #tpu.memory_space<hbm>>) target(%arg8 : memref<16x8x256xf32, #tpu.memory_space<vmem>>) target_semaphore(%arg11 : memref<!tpu.dma_semaphore, #tpu.memory_space<semaphore_mem>>)
    %dma_wait3A_37 = arith.constant 0 : i32
    %dma_wait3A_38 = arith.constant 0 : i32
    %dma_wait3A_39 = tpu.memref_slice %arg2[%add3A_9, %dma_wait3A_37, %dma_wait3A_38] : memref<8192x8x256xf32, #tpu.memory_space<hbm>> -> memref<16x8x256xf32, #tpu.memory_space<hbm>>
    %dma_wait3A_40 = arith.constant 0 : i32
    %dma_wait3A_41 = arith.constant 0 : i32
    %dma_wait3A_42 = tpu.memref_slice %arg2[%add3A_9, %dma_wait3A_40, %dma_wait3A_41] : memref<8192x8x256xf32, #tpu.memory_space<hbm>> -> memref<16x8x256xf32, #tpu.memory_space<hbm>>
    tpu.wait_dma2 semaphore(%arg10 : memref<!tpu.dma_semaphore, #tpu.memory_space<semaphore_mem>>) src(%dma_wait3A_42 : memref<16x8x256xf32, #tpu.memory_space<hbm>>) dst(%arg7 : memref<16x8x256xf32, #tpu.memory_space<vmem>>)
    %dma_start3A_43 = arith.constant 1 : i32
    %dma_start3A_44 = arith.constant 0 : i32
    %dma_start3A_45 = tpu.memref_slice %arg5[%dma_start3A_43, %dma_start3A_44] : memref<16x16xi32, #tpu.memory_space<vmem>> -> memref<1x16xi32, #tpu.memory_space<vmem>>
    %dma_start3A_46 = tpu.memref_squeeze %dma_start3A_45 : memref<1x16xi32, #tpu.memory_space<vmem>> -> memref<16xi32, #tpu.memory_space<vmem>>
    %dma_start3A_47 = arith.constant 0 : i32
    %dma_start3A_48 = arith.constant 0 : i32
    %dma_start3A_49 = arith.constant 0 : i32
    %dma_start3A_50 = tpu.memref_slice %arg4[%dma_start3A_47, %dma_start3A_48, %dma_start3A_49] : memref<10240x8x256xf32, #tpu.memory_space<hbm>> -> memref<10240x8x256xf32, #tpu.memory_space<hbm>>
    tpu.enqueue_indirect_dma source(%arg7 : memref<16x8x256xf32, #tpu.memory_space<vmem>>) target(%dma_start3A_50 : memref<10240x8x256xf32, #tpu.memory_space<hbm>>) offsets(%dma_start3A_46 : memref<16xi32, #tpu.memory_space<vmem>>) semaphore(%arg13 : memref<!tpu.dma_semaphore, #tpu.memory_space<semaphore_mem>>)
    %dma_wait3A_51 = arith.constant 0 : i32
    %dma_wait3A_52 = arith.constant 0 : i32
    %dma_wait3A_53 = tpu.memref_slice %arg5[%dma_wait3A_51, %dma_wait3A_52] : memref<16x16xi32, #tpu.memory_space<vmem>> -> memref<1x16xi32, #tpu.memory_space<vmem>>
    %dma_wait3A_54 = tpu.memref_squeeze %dma_wait3A_53 : memref<1x16xi32, #tpu.memory_space<vmem>> -> memref<16xi32, #tpu.memory_space<vmem>>
    %dma_wait3A_55 = arith.constant 0 : i32
    %dma_wait3A_56 = arith.constant 0 : i32
    %dma_wait3A_57 = arith.constant 0 : i32
    %dma_wait3A_58 = tpu.memref_slice %arg4[%dma_wait3A_55, %dma_wait3A_56, %dma_wait3A_57] : memref<10240x8x256xf32, #tpu.memory_space<hbm>> -> memref<10240x8x256xf32, #tpu.memory_space<hbm>>
    tpu.wait_indirect_dma semaphore(%arg12 : memref<!tpu.dma_semaphore, #tpu.memory_space<semaphore_mem>>) src(%arg6 : memref<16x8x256xf32, #tpu.memory_space<vmem>>) dst(%dma_wait3A_58 : memref<10240x8x256xf32, #tpu.memory_space<hbm>>)
    %add3A_59 = arith.constant 48 : i32
    %add3A_60 = arith.addi %mul3A_2, %add3A_59 : i32
    %dma_start3A_61 = arith.constant 0 : i32
    %dma_start3A_62 = arith.constant 0 : i32
    %dma_start3A_63 = tpu.memref_slice %arg2[%add3A_60, %dma_start3A_61, %dma_start3A_62] : memref<8192x8x256xf32, #tpu.memory_space<hbm>> -> memref<16x8x256xf32, #tpu.memory_space<hbm>>
    %dma_start3A_64 = arith.constant 0 : i32
    %dma_start3A_65 = arith.constant 0 : i32
    %dma_start3A_66 = tpu.memref_slice %arg2[%add3A_60, %dma_start3A_64, %dma_start3A_65] : memref<8192x8x256xf32, #tpu.memory_space<hbm>> -> memref<16x8x256xf32, #tpu.memory_space<hbm>>
    tpu.enqueue_dma source(%dma_start3A_66 : memref<16x8x256xf32, #tpu.memory_space<hbm>>) target(%arg6 : memref<16x8x256xf32, #tpu.memory_space<vmem>>) target_semaphore(%arg9 : memref<!tpu.dma_semaphore, #tpu.memory_space<semaphore_mem>>)
    %dma_wait3A_67 = arith.constant 0 : i32
    %dma_wait3A_68 = arith.constant 0 : i32
    %dma_wait3A_69 = tpu.memref_slice %arg2[%add3A_30, %dma_wait3A_67, %dma_wait3A_68] : memref<8192x8x256xf32, #tpu.memory_space<hbm>> -> memref<16x8x256xf32, #tpu.memory_space<hbm>>
    %dma_wait3A_70 = arith.constant 0 : i32
    %dma_wait3A_71 = arith.constant 0 : i32
    %dma_wait3A_72 = tpu.memref_slice %arg2[%add3A_30, %dma_wait3A_70, %dma_wait3A_71] : memref<8192x8x256xf32, #tpu.memory_space<hbm>> -> memref<16x8x256xf32, #tpu.memory_space<hbm>>
    tpu.wait_dma2 semaphore(%arg11 : memref<!tpu.dma_semaphore, #tpu.memory_space<semaphore_mem>>) src(%dma_wait3A_72 : memref<16x8x256xf32, #tpu.memory_space<hbm>>) dst(%arg8 : memref<16x8x256xf32, #tpu.memory_space<vmem>>)
    %dma_start3A_73 = arith.constant 2 : i32
    %dma_start3A_74 = arith.constant 0 : i32
    %dma_start3A_75 = tpu.memref_slice %arg5[%dma_start3A_73, %dma_start3A_74] : memref<16x16xi32, #tpu.memory_space<vmem>> -> memref<1x16xi32, #tpu.memory_space<vmem>>
    %dma_start3A_76 = tpu.memref_squeeze %dma_start3A_75 : memref<1x16xi32, #tpu.memory_space<vmem>> -> memref<16xi32, #tpu.memory_space<vmem>>
    %dma_start3A_77 = arith.constant 0 : i32
    %dma_start3A_78 = arith.constant 0 : i32
    %dma_start3A_79 = arith.constant 0 : i32
    %dma_start3A_80 = tpu.memref_slice %arg4[%dma_start3A_77, %dma_start3A_78, %dma_start3A_79] : memref<10240x8x256xf32, #tpu.memory_space<hbm>> -> memref<10240x8x256xf32, #tpu.memory_space<hbm>>
    tpu.enqueue_indirect_dma source(%arg8 : memref<16x8x256xf32, #tpu.memory_space<vmem>>) target(%dma_start3A_80 : memref<10240x8x256xf32, #tpu.memory_space<hbm>>) offsets(%dma_start3A_76 : memref<16xi32, #tpu.memory_space<vmem>>) semaphore(%arg14 : memref<!tpu.dma_semaphore, #tpu.memory_space<semaphore_mem>>)
    %dma_wait3A_81 = arith.constant 1 : i32
    %dma_wait3A_82 = arith.constant 0 : i32
    %dma_wait3A_83 = tpu.memref_slice %arg5[%dma_wait3A_81, %dma_wait3A_82] : memref<16x16xi32, #tpu.memory_space<vmem>> -> memref<1x16xi32, #tpu.memory_space<vmem>>
    %dma_wait3A_84 = tpu.memref_squeeze %dma_wait3A_83 : memref<1x16xi32, #tpu.memory_space<vmem>> -> memref<16xi32, #tpu.memory_space<vmem>>
    %dma_wait3A_85 = arith.constant 0 : i32
    %dma_wait3A_86 = arith.constant 0 : i32
    %dma_wait3A_87 = arith.constant 0 : i32
    %dma_wait3A_88 = tpu.memref_slice %arg4[%dma_wait3A_85, %dma_wait3A_86, %dma_wait3A_87] : memref<10240x8x256xf32, #tpu.memory_space<hbm>> -> memref<10240x8x256xf32, #tpu.memory_space<hbm>>
    tpu.wait_indirect_dma semaphore(%arg13 : memref<!tpu.dma_semaphore, #tpu.memory_space<semaphore_mem>>) src(%arg7 : memref<16x8x256xf32, #tpu.memory_space<vmem>>) dst(%dma_wait3A_88 : memref<10240x8x256xf32, #tpu.memory_space<hbm>>)
    %add3A_89 = arith.constant 64 : i32
    %add3A_90 = arith.addi %mul3A_2, %add3A_89 : i32
    %dma_start3A_91 = arith.constant 0 : i32
    %dma_start3A_92 = arith.constant 0 : i32
    %dma_start3A_93 = tpu.memref_slice %arg2[%add3A_90, %dma_start3A_91, %dma_start3A_92] : memref<8192x8x256xf32, #tpu.memory_space<hbm>> -> memref<16x8x256xf32, #tpu.memory_space<hbm>>
    %dma_start3A_94 = arith.constant 0 : i32
    %dma_start3A_95 = arith.constant 0 : i32
    %dma_start3A_96 = tpu.memref_slice %arg2[%add3A_90, %dma_start3A_94, %dma_start3A_95] : memref<8192x8x256xf32, #tpu.memory_space<hbm>> -> memref<16x8x256xf32, #tpu.memory_space<hbm>>
    tpu.enqueue_dma source(%dma_start3A_96 : memref<16x8x256xf32, #tpu.memory_space<hbm>>) target(%arg7 : memref<16x8x256xf32, #tpu.memory_space<vmem>>) target_semaphore(%arg10 : memref<!tpu.dma_semaphore, #tpu.memory_space<semaphore_mem>>)
    %dma_wait3A_97 = arith.constant 0 : i32
    %dma_wait3A_98 = arith.constant 0 : i32
    %dma_wait3A_99 = tpu.memref_slice %arg2[%add3A_60, %dma_wait3A_97, %dma_wait3A_98] : memref<8192x8x256xf32, #tpu.memory_space<hbm>> -> memref<16x8x256xf32, #tpu.memory_space<hbm>>
    %dma_wait3A_100 = arith.constant 0 : i32
    %dma_wait3A_101 = arith.constant 0 : i32
    %dma_wait3A_102 = tpu.memref_slice %arg2[%add3A_60, %dma_wait3A_100, %dma_wait3A_101] : memref<8192x8x256xf32, #tpu.memory_space<hbm>> -> memref<16x8x256xf32, #tpu.memory_space<hbm>>
    tpu.wait_dma2 semaphore(%arg9 : memref<!tpu.dma_semaphore, #tpu.memory_space<semaphore_mem>>) src(%dma_wait3A_102 : memref<16x8x256xf32, #tpu.memory_space<hbm>>) dst(%arg6 : memref<16x8x256xf32, #tpu.memory_space<vmem>>)
    %dma_start3A_103 = arith.constant 3 : i32
    %dma_start3A_104 = arith.constant 0 : i32
    %dma_start3A_105 = tpu.memref_slice %arg5[%dma_start3A_103, %dma_start3A_104] : memref<16x16xi32, #tpu.memory_space<vmem>> -> memref<1x16xi32, #tpu.memory_space<vmem>>
    %dma_start3A_106 = tpu.memref_squeeze %dma_start3A_105 : memref<1x16xi32, #tpu.memory_space<vmem>> -> memref<16xi32, #tpu.memory_space<vmem>>
    %dma_start3A_107 = arith.constant 0 : i32
    %dma_start3A_108 = arith.constant 0 : i32
    %dma_start3A_109 = arith.constant 0 : i32
    %dma_start3A_110 = tpu.memref_slice %arg4[%dma_start3A_107, %dma_start3A_108, %dma_start3A_109] : memref<10240x8x256xf32, #tpu.memory_space<hbm>> -> memref<10240x8x256xf32, #tpu.memory_space<hbm>>
    tpu.enqueue_indirect_dma source(%arg6 : memref<16x8x256xf32, #tpu.memory_space<vmem>>) target(%dma_start3A_110 : memref<10240x8x256xf32, #tpu.memory_space<hbm>>) offsets(%dma_start3A_106 : memref<16xi32, #tpu.memory_space<vmem>>) semaphore(%arg12 : memref<!tpu.dma_semaphore, #tpu.memory_space<semaphore_mem>>)
    %dma_wait3A_111 = arith.constant 2 : i32
    %dma_wait3A_112 = arith.constant 0 : i32
    %dma_wait3A_113 = tpu.memref_slice %arg5[%dma_wait3A_111, %dma_wait3A_112] : memref<16x16xi32, #tpu.memory_space<vmem>> -> memref<1x16xi32, #tpu.memory_space<vmem>>
    %dma_wait3A_114 = tpu.memref_squeeze %dma_wait3A_113 : memref<1x16xi32, #tpu.memory_space<vmem>> -> memref<16xi32, #tpu.memory_space<vmem>>
    %dma_wait3A_115 = arith.constant 0 : i32
    %dma_wait3A_116 = arith.constant 0 : i32
    %dma_wait3A_117 = arith.constant 0 : i32
    %dma_wait3A_118 = tpu.memref_slice %arg4[%dma_wait3A_115, %dma_wait3A_116, %dma_wait3A_117] : memref<10240x8x256xf32, #tpu.memory_space<hbm>> -> memref<10240x8x256xf32, #tpu.memory_space<hbm>>
    tpu.wait_indirect_dma semaphore(%arg14 : memref<!tpu.dma_semaphore, #tpu.memory_space<semaphore_mem>>) src(%arg8 : memref<16x8x256xf32, #tpu.memory_space<vmem>>) dst(%dma_wait3A_118 : memref<10240x8x256xf32, #tpu.memory_space<hbm>>)
    %add3A_119 = arith.constant 80 : i32
    %add3A_120 = arith.addi %mul3A_2, %add3A_119 : i32
    %dma_start3A_121 = arith.constant 0 : i32
    %dma_start3A_122 = arith.constant 0 : i32
    %dma_start3A_123 = tpu.memref_slice %arg2[%add3A_120, %dma_start3A_121, %dma_start3A_122] : memref<8192x8x256xf32, #tpu.memory_space<hbm>> -> memref<16x8x256xf32, #tpu.memory_space<hbm>>
    %dma_start3A_124 = arith.constant 0 : i32
    %dma_start3A_125 = arith.constant 0 : i32
    %dma_start3A_126 = tpu.memref_slice %arg2[%add3A_120, %dma_start3A_124, %dma_start3A_125] : memref<8192x8x256xf32, #tpu.memory_space<hbm>> -> memref<16x8x256xf32, #tpu.memory_space<hbm>>
    tpu.enqueue_dma source(%dma_start3A_126 : memref<16x8x256xf32, #tpu.memory_space<hbm>>) target(%arg8 : memref<16x8x256xf32, #tpu.memory_space<vmem>>) target_semaphore(%arg11 : memref<!tpu.dma_semaphore, #tpu.memory_space<semaphore_mem>>)
    %dma_wait3A_127 = arith.constant 0 : i32
    %dma_wait3A_128 = arith.constant 0 : i32
    %dma_wait3A_129 = tpu.memref_slice %arg2[%add3A_90, %dma_wait3A_127, %dma_wait3A_128] : memref<8192x8x256xf32, #tpu.memory_space<hbm>> -> memref<16x8x256xf32, #tpu.memory_space<hbm>>
    %dma_wait3A_130 = arith.constant 0 : i32
    %dma_wait3A_131 = arith.constant 0 : i32
    %dma_wait3A_132 = tpu.memref_slice %arg2[%add3A_90, %dma_wait3A_130, %dma_wait3A_131] : memref<8192x8x256xf32, #tpu.memory_space<hbm>> -> memref<16x8x256xf32, #tpu.memory_space<hbm>>
    tpu.wait_dma2 semaphore(%arg10 : memref<!tpu.dma_semaphore, #tpu.memory_space<semaphore_mem>>) src(%dma_wait3A_132 : memref<16x8x256xf32, #tpu.memory_space<hbm>>) dst(%arg7 : memref<16x8x256xf32, #tpu.memory_space<vmem>>)
    %dma_start3A_133 = arith.constant 4 : i32
    %dma_start3A_134 = arith.constant 0 : i32
    %dma_start3A_135 = tpu.memref_slice %arg5[%dma_start3A_133, %dma_start3A_134] : memref<16x16xi32, #tpu.memory_space<vmem>> -> memref<1x16xi32, #tpu.memory_space<vmem>>
    %dma_start3A_136 = tpu.memref_squeeze %dma_start3A_135 : memref<1x16xi32, #tpu.memory_space<vmem>> -> memref<16xi32, #tpu.memory_space<vmem>>
    %dma_start3A_137 = arith.constant 0 : i32
    %dma_start3A_138 = arith.constant 0 : i32
    %dma_start3A_139 = arith.constant 0 : i32
    %dma_start3A_140 = tpu.memref_slice %arg4[%dma_start3A_137, %dma_start3A_138, %dma_start3A_139] : memref<10240x8x256xf32, #tpu.memory_space<hbm>> -> memref<10240x8x256xf32, #tpu.memory_space<hbm>>
    tpu.enqueue_indirect_dma source(%arg7 : memref<16x8x256xf32, #tpu.memory_space<vmem>>) target(%dma_start3A_140 : memref<10240x8x256xf32, #tpu.memory_space<hbm>>) offsets(%dma_start3A_136 : memref<16xi32, #tpu.memory_space<vmem>>) semaphore(%arg13 : memref<!tpu.dma_semaphore, #tpu.memory_space<semaphore_mem>>)
    %dma_wait3A_141 = arith.constant 3 : i32
    %dma_wait3A_142 = arith.constant 0 : i32
    %dma_wait3A_143 = tpu.memref_slice %arg5[%dma_wait3A_141, %dma_wait3A_142] : memref<16x16xi32, #tpu.memory_space<vmem>> -> memref<1x16xi32, #tpu.memory_space<vmem>>
    %dma_wait3A_144 = tpu.memref_squeeze %dma_wait3A_143 : memref<1x16xi32, #tpu.memory_space<vmem>> -> memref<16xi32, #tpu.memory_space<vmem>>
    %dma_wait3A_145 = arith.constant 0 : i32
    %dma_wait3A_146 = arith.constant 0 : i32
    %dma_wait3A_147 = arith.constant 0 : i32
    %dma_wait3A_148 = tpu.memref_slice %arg4[%dma_wait3A_145, %dma_wait3A_146, %dma_wait3A_147] : memref<10240x8x256xf32, #tpu.memory_space<hbm>> -> memref<10240x8x256xf32, #tpu.memory_space<hbm>>
    tpu.wait_indirect_dma semaphore(%arg12 : memref<!tpu.dma_semaphore, #tpu.memory_space<semaphore_mem>>) src(%arg6 : memref<16x8x256xf32, #tpu.memory_space<vmem>>) dst(%dma_wait3A_148 : memref<10240x8x256xf32, #tpu.memory_space<hbm>>)
    %add3A_149 = arith.constant 96 : i32
    %add3A_150 = arith.addi %mul3A_2, %add3A_149 : i32
    %dma_start3A_151 = arith.constant 0 : i32
    %dma_start3A_152 = arith.constant 0 : i32
    %dma_start3A_153 = tpu.memref_slice %arg2[%add3A_150, %dma_start3A_151, %dma_start3A_152] : memref<8192x8x256xf32, #tpu.memory_space<hbm>> -> memref<16x8x256xf32, #tpu.memory_space<hbm>>
    %dma_start3A_154 = arith.constant 0 : i32
    %dma_start3A_155 = arith.constant 0 : i32
    %dma_start3A_156 = tpu.memref_slice %arg2[%add3A_150, %dma_start3A_154, %dma_start3A_155] : memref<8192x8x256xf32, #tpu.memory_space<hbm>> -> memref<16x8x256xf32, #tpu.memory_space<hbm>>
    tpu.enqueue_dma source(%dma_start3A_156 : memref<16x8x256xf32, #tpu.memory_space<hbm>>) target(%arg6 : memref<16x8x256xf32, #tpu.memory_space<vmem>>) target_semaphore(%arg9 : memref<!tpu.dma_semaphore, #tpu.memory_space<semaphore_mem>>)
    %dma_wait3A_157 = arith.constant 0 : i32
    %dma_wait3A_158 = arith.constant 0 : i32
    %dma_wait3A_159 = tpu.memref_slice %arg2[%add3A_120, %dma_wait3A_157, %dma_wait3A_158] : memref<8192x8x256xf32, #tpu.memory_space<hbm>> -> memref<16x8x256xf32, #tpu.memory_space<hbm>>
    %dma_wait3A_160 = arith.constant 0 : i32
    %dma_wait3A_161 = arith.constant 0 : i32
    %dma_wait3A_162 = tpu.memref_slice %arg2[%add3A_120, %dma_wait3A_160, %dma_wait3A_161] : memref<8192x8x256xf32, #tpu.memory_space<hbm>> -> memref<16x8x256xf32, #tpu.memory_space<hbm>>
    tpu.wait_dma2 semaphore(%arg11 : memref<!tpu.dma_semaphore, #tpu.memory_space<semaphore_mem>>) src(%dma_wait3A_162 : memref<16x8x256xf32, #tpu.memory_space<hbm>>) dst(%arg8 : memref<16x8x256xf32, #tpu.memory_space<vmem>>)
    %dma_start3A_163 = arith.constant 5 : i32
    %dma_start3A_164 = arith.constant 0 : i32
    %dma_start3A_165 = tpu.memref_slice %arg5[%dma_start3A_163, %dma_start3A_164] : memref<16x16xi32, #tpu.memory_space<vmem>> -> memref<1x16xi32, #tpu.memory_space<vmem>>
    %dma_start3A_166 = tpu.memref_squeeze %dma_start3A_165 : memref<1x16xi32, #tpu.memory_space<vmem>> -> memref<16xi32, #tpu.memory_space<vmem>>
    %dma_start3A_167 = arith.constant 0 : i32
    %dma_start3A_168 = arith.constant 0 : i32
    %dma_start3A_169 = arith.constant 0 : i32
    %dma_start3A_170 = tpu.memref_slice %arg4[%dma_start3A_167, %dma_start3A_168, %dma_start3A_169] : memref<10240x8x256xf32, #tpu.memory_space<hbm>> -> memref<10240x8x256xf32, #tpu.memory_space<hbm>>
    tpu.enqueue_indirect_dma source(%arg8 : memref<16x8x256xf32, #tpu.memory_space<vmem>>) target(%dma_start3A_170 : memref<10240x8x256xf32, #tpu.memory_space<hbm>>) offsets(%dma_start3A_166 : memref<16xi32, #tpu.memory_space<vmem>>) semaphore(%arg14 : memref<!tpu.dma_semaphore, #tpu.memory_space<semaphore_mem>>)
    %dma_wait3A_171 = arith.constant 4 : i32
    %dma_wait3A_172 = arith.constant 0 : i32
    %dma_wait3A_173 = tpu.memref_slice %arg5[%dma_wait3A_171, %dma_wait3A_172] : memref<16x16xi32, #tpu.memory_space<vmem>> -> memref<1x16xi32, #tpu.memory_space<vmem>>
    %dma_wait3A_174 = tpu.memref_squeeze %dma_wait3A_173 : memref<1x16xi32, #tpu.memory_space<vmem>> -> memref<16xi32, #tpu.memory_space<vmem>>
    %dma_wait3A_175 = arith.constant 0 : i32
    %dma_wait3A_176 = arith.constant 0 : i32
    %dma_wait3A_177 = arith.constant 0 : i32
    %dma_wait3A_178 = tpu.memref_slice %arg4[%dma_wait3A_175, %dma_wait3A_176, %dma_wait3A_177] : memref<10240x8x256xf32, #tpu.memory_space<hbm>> -> memref<10240x8x256xf32, #tpu.memory_space<hbm>>
    tpu.wait_indirect_dma semaphore(%arg13 : memref<!tpu.dma_semaphore, #tpu.memory_space<semaphore_mem>>) src(%arg7 : memref<16x8x256xf32, #tpu.memory_space<vmem>>) dst(%dma_wait3A_178 : memref<10240x8x256xf32, #tpu.memory_space<hbm>>)
    %add3A_179 = arith.constant 112 : i32
    %add3A_180 = arith.addi %mul3A_2, %add3A_179 : i32
    %dma_start3A_181 = arith.constant 0 : i32
    %dma_start3A_182 = arith.constant 0 : i32
    %dma_start3A_183 = tpu.memref_slice %arg2[%add3A_180, %dma_start3A_181, %dma_start3A_182] : memref<8192x8x256xf32, #tpu.memory_space<hbm>> -> memref<16x8x256xf32, #tpu.memory_space<hbm>>
    %dma_start3A_184 = arith.constant 0 : i32
    %dma_start3A_185 = arith.constant 0 : i32
    %dma_start3A_186 = tpu.memref_slice %arg2[%add3A_180, %dma_start3A_184, %dma_start3A_185] : memref<8192x8x256xf32, #tpu.memory_space<hbm>> -> memref<16x8x256xf32, #tpu.memory_space<hbm>>
    tpu.enqueue_dma source(%dma_start3A_186 : memref<16x8x256xf32, #tpu.memory_space<hbm>>) target(%arg7 : memref<16x8x256xf32, #tpu.memory_space<vmem>>) target_semaphore(%arg10 : memref<!tpu.dma_semaphore, #tpu.memory_space<semaphore_mem>>)
    %dma_wait3A_187 = arith.constant 0 : i32
    %dma_wait3A_188 = arith.constant 0 : i32
    %dma_wait3A_189 = tpu.memref_slice %arg2[%add3A_150, %dma_wait3A_187, %dma_wait3A_188] : memref<8192x8x256xf32, #tpu.memory_space<hbm>> -> memref<16x8x256xf32, #tpu.memory_space<hbm>>
    %dma_wait3A_190 = arith.constant 0 : i32
    %dma_wait3A_191 = arith.constant 0 : i32
    %dma_wait3A_192 = tpu.memref_slice %arg2[%add3A_150, %dma_wait3A_190, %dma_wait3A_191] : memref<8192x8x256xf32, #tpu.memory_space<hbm>> -> memref<16x8x256xf32, #tpu.memory_space<hbm>>
    tpu.wait_dma2 semaphore(%arg9 : memref<!tpu.dma_semaphore, #tpu.memory_space<semaphore_mem>>) src(%dma_wait3A_192 : memref<16x8x256xf32, #tpu.memory_space<hbm>>) dst(%arg6 : memref<16x8x256xf32, #tpu.memory_space<vmem>>)
    %dma_start3A_193 = arith.constant 6 : i32
    %dma_start3A_194 = arith.constant 0 : i32
    %dma_start3A_195 = tpu.memref_slice %arg5[%dma_start3A_193, %dma_start3A_194] : memref<16x16xi32, #tpu.memory_space<vmem>> -> memref<1x16xi32, #tpu.memory_space<vmem>>
    %dma_start3A_196 = tpu.memref_squeeze %dma_start3A_195 : memref<1x16xi32, #tpu.memory_space<vmem>> -> memref<16xi32, #tpu.memory_space<vmem>>
    %dma_start3A_197 = arith.constant 0 : i32
    %dma_start3A_198 = arith.constant 0 : i32
    %dma_start3A_199 = arith.constant 0 : i32
    %dma_start3A_200 = tpu.memref_slice %arg4[%dma_start3A_197, %dma_start3A_198, %dma_start3A_199] : memref<10240x8x256xf32, #tpu.memory_space<hbm>> -> memref<10240x8x256xf32, #tpu.memory_space<hbm>>
    tpu.enqueue_indirect_dma source(%arg6 : memref<16x8x256xf32, #tpu.memory_space<vmem>>) target(%dma_start3A_200 : memref<10240x8x256xf32, #tpu.memory_space<hbm>>) offsets(%dma_start3A_196 : memref<16xi32, #tpu.memory_space<vmem>>) semaphore(%arg12 : memref<!tpu.dma_semaphore, #tpu.memory_space<semaphore_mem>>)
    %dma_wait3A_201 = arith.constant 5 : i32
    %dma_wait3A_202 = arith.constant 0 : i32
    %dma_wait3A_203 = tpu.memref_slice %arg5[%dma_wait3A_201, %dma_wait3A_202] : memref<16x16xi32, #tpu.memory_space<vmem>> -> memref<1x16xi32, #tpu.memory_space<vmem>>
    %dma_wait3A_204 = tpu.memref_squeeze %dma_wait3A_203 : memref<1x16xi32, #tpu.memory_space<vmem>> -> memref<16xi32, #tpu.memory_space<vmem>>
    %dma_wait3A_205 = arith.constant 0 : i32
    %dma_wait3A_206 = arith.constant 0 : i32
    %dma_wait3A_207 = arith.constant 0 : i32
    %dma_wait3A_208 = tpu.memref_slice %arg4[%dma_wait3A_205, %dma_wait3A_206, %dma_wait3A_207] : memref<10240x8x256xf32, #tpu.memory_space<hbm>> -> memref<10240x8x256xf32, #tpu.memory_space<hbm>>
    tpu.wait_indirect_dma semaphore(%arg14 : memref<!tpu.dma_semaphore, #tpu.memory_space<semaphore_mem>>) src(%arg8 : memref<16x8x256xf32, #tpu.memory_space<vmem>>) dst(%dma_wait3A_208 : memref<10240x8x256xf32, #tpu.memory_space<hbm>>)
    %add3A_209 = arith.constant 128 : i32
    %add3A_210 = arith.addi %mul3A_2, %add3A_209 : i32
    %dma_start3A_211 = arith.constant 0 : i32
    %dma_start3A_212 = arith.constant 0 : i32
    %dma_start3A_213 = tpu.memref_slice %arg2[%add3A_210, %dma_start3A_211, %dma_start3A_212] : memref<8192x8x256xf32, #tpu.memory_space<hbm>> -> memref<16x8x256xf32, #tpu.memory_space<hbm>>
    %dma_start3A_214 = arith.constant 0 : i32
    %dma_start3A_215 = arith.constant 0 : i32
    %dma_start3A_216 = tpu.memref_slice %arg2[%add3A_210, %dma_start3A_214, %dma_start3A_215] : memref<8192x8x256xf32, #tpu.memory_space<hbm>> -> memref<16x8x256xf32, #tpu.memory_space<hbm>>
    tpu.enqueue_dma source(%dma_start3A_216 : memref<16x8x256xf32, #tpu.memory_space<hbm>>) target(%arg8 : memref<16x8x256xf32, #tpu.memory_space<vmem>>) target_semaphore(%arg11 : memref<!tpu.dma_semaphore, #tpu.memory_space<semaphore_mem>>)
    %dma_wait3A_217 = arith.constant 0 : i32
    %dma_wait3A_218 = arith.constant 0 : i32
    %dma_wait3A_219 = tpu.memref_slice %arg2[%add3A_180, %dma_wait3A_217, %dma_wait3A_218] : memref<8192x8x256xf32, #tpu.memory_space<hbm>> -> memref<16x8x256xf32, #tpu.memory_space<hbm>>
    %dma_wait3A_220 = arith.constant 0 : i32
    %dma_wait3A_221 = arith.constant 0 : i32
    %dma_wait3A_222 = tpu.memref_slice %arg2[%add3A_180, %dma_wait3A_220, %dma_wait3A_221] : memref<8192x8x256xf32, #tpu.memory_space<hbm>> -> memref<16x8x256xf32, #tpu.memory_space<hbm>>
    tpu.wait_dma2 semaphore(%arg10 : memref<!tpu.dma_semaphore, #tpu.memory_space<semaphore_mem>>) src(%dma_wait3A_222 : memref<16x8x256xf32, #tpu.memory_space<hbm>>) dst(%arg7 : memref<16x8x256xf32, #tpu.memory_space<vmem>>)
    %dma_start3A_223 = arith.constant 7 : i32
    %dma_start3A_224 = arith.constant 0 : i32
    %dma_start3A_225 = tpu.memref_slice %arg5[%dma_start3A_223, %dma_start3A_224] : memref<16x16xi32, #tpu.memory_space<vmem>> -> memref<1x16xi32, #tpu.memory_space<vmem>>
    %dma_start3A_226 = tpu.memref_squeeze %dma_start3A_225 : memref<1x16xi32, #tpu.memory_space<vmem>> -> memref<16xi32, #tpu.memory_space<vmem>>
    %dma_start3A_227 = arith.constant 0 : i32
    %dma_start3A_228 = arith.constant 0 : i32
    %dma_start3A_229 = arith.constant 0 : i32
    %dma_start3A_230 = tpu.memref_slice %arg4[%dma_start3A_227, %dma_start3A_228, %dma_start3A_229] : memref<10240x8x256xf32, #tpu.memory_space<hbm>> -> memref<10240x8x256xf32, #tpu.memory_space<hbm>>
    tpu.enqueue_indirect_dma source(%arg7 : memref<16x8x256xf32, #tpu.memory_space<vmem>>) target(%dma_start3A_230 : memref<10240x8x256xf32, #tpu.memory_space<hbm>>) offsets(%dma_start3A_226 : memref<16xi32, #tpu.memory_space<vmem>>) semaphore(%arg13 : memref<!tpu.dma_semaphore, #tpu.memory_space<semaphore_mem>>)
    %dma_wait3A_231 = arith.constant 6 : i32
    %dma_wait3A_232 = arith.constant 0 : i32
    %dma_wait3A_233 = tpu.memref_slice %arg5[%dma_wait3A_231, %dma_wait3A_232] : memref<16x16xi32, #tpu.memory_space<vmem>> -> memref<1x16xi32, #tpu.memory_space<vmem>>
    %dma_wait3A_234 = tpu.memref_squeeze %dma_wait3A_233 : memref<1x16xi32, #tpu.memory_space<vmem>> -> memref<16xi32, #tpu.memory_space<vmem>>
    %dma_wait3A_235 = arith.constant 0 : i32
    %dma_wait3A_236 = arith.constant 0 : i32
    %dma_wait3A_237 = arith.constant 0 : i32
    %dma_wait3A_238 = tpu.memref_slice %arg4[%dma_wait3A_235, %dma_wait3A_236, %dma_wait3A_237] : memref<10240x8x256xf32, #tpu.memory_space<hbm>> -> memref<10240x8x256xf32, #tpu.memory_space<hbm>>
    tpu.wait_indirect_dma semaphore(%arg12 : memref<!tpu.dma_semaphore, #tpu.memory_space<semaphore_mem>>) src(%arg6 : memref<16x8x256xf32, #tpu.memory_space<vmem>>) dst(%dma_wait3A_238 : memref<10240x8x256xf32, #tpu.memory_space<hbm>>)
    %add3A_239 = arith.constant 144 : i32
    %add3A_240 = arith.addi %mul3A_2, %add3A_239 : i32
    %dma_start3A_241 = arith.constant 0 : i32
    %dma_start3A_242 = arith.constant 0 : i32
    %dma_start3A_243 = tpu.memref_slice %arg2[%add3A_240, %dma_start3A_241, %dma_start3A_242] : memref<8192x8x256xf32, #tpu.memory_space<hbm>> -> memref<16x8x256xf32, #tpu.memory_space<hbm>>
    %dma_start3A_244 = arith.constant 0 : i32
    %dma_start3A_245 = arith.constant 0 : i32
    %dma_start3A_246 = tpu.memref_slice %arg2[%add3A_240, %dma_start3A_244, %dma_start3A_245] : memref<8192x8x256xf32, #tpu.memory_space<hbm>> -> memref<16x8x256xf32, #tpu.memory_space<hbm>>
    tpu.enqueue_dma source(%dma_start3A_246 : memref<16x8x256xf32, #tpu.memory_space<hbm>>) target(%arg6 : memref<16x8x256xf32, #tpu.memory_space<vmem>>) target_semaphore(%arg9 : memref<!tpu.dma_semaphore, #tpu.memory_space<semaphore_mem>>)
    %dma_wait3A_247 = arith.constant 0 : i32
    %dma_wait3A_248 = arith.constant 0 : i32
    %dma_wait3A_249 = tpu.memref_slice %arg2[%add3A_210, %dma_wait3A_247, %dma_wait3A_248] : memref<8192x8x256xf32, #tpu.memory_space<hbm>> -> memref<16x8x256xf32, #tpu.memory_space<hbm>>
    %dma_wait3A_250 = arith.constant 0 : i32
    %dma_wait3A_251 = arith.constant 0 : i32
    %dma_wait3A_252 = tpu.memref_slice %arg2[%add3A_210, %dma_wait3A_250, %dma_wait3A_251] : memref<8192x8x256xf32, #tpu.memory_space<hbm>> -> memref<16x8x256xf32, #tpu.memory_space<hbm>>
    tpu.wait_dma2 semaphore(%arg11 : memref<!tpu.dma_semaphore, #tpu.memory_space<semaphore_mem>>) src(%dma_wait3A_252 : memref<16x8x256xf32, #tpu.memory_space<hbm>>) dst(%arg8 : memref<16x8x256xf32, #tpu.memory_space<vmem>>)
    %dma_start3A_253 = arith.constant 8 : i32
    %dma_start3A_254 = arith.constant 0 : i32
    %dma_start3A_255 = tpu.memref_slice %arg5[%dma_start3A_253, %dma_start3A_254] : memref<16x16xi32, #tpu.memory_space<vmem>> -> memref<1x16xi32, #tpu.memory_space<vmem>>
    %dma_start3A_256 = tpu.memref_squeeze %dma_start3A_255 : memref<1x16xi32, #tpu.memory_space<vmem>> -> memref<16xi32, #tpu.memory_space<vmem>>
    %dma_start3A_257 = arith.constant 0 : i32
    %dma_start3A_258 = arith.constant 0 : i32
    %dma_start3A_259 = arith.constant 0 : i32
    %dma_start3A_260 = tpu.memref_slice %arg4[%dma_start3A_257, %dma_start3A_258, %dma_start3A_259] : memref<10240x8x256xf32, #tpu.memory_space<hbm>> -> memref<10240x8x256xf32, #tpu.memory_space<hbm>>
    tpu.enqueue_indirect_dma source(%arg8 : memref<16x8x256xf32, #tpu.memory_space<vmem>>) target(%dma_start3A_260 : memref<10240x8x256xf32, #tpu.memory_space<hbm>>) offsets(%dma_start3A_256 : memref<16xi32, #tpu.memory_space<vmem>>) semaphore(%arg14 : memref<!tpu.dma_semaphore, #tpu.memory_space<semaphore_mem>>)
    %dma_wait3A_261 = arith.constant 7 : i32
    %dma_wait3A_262 = arith.constant 0 : i32
    %dma_wait3A_263 = tpu.memref_slice %arg5[%dma_wait3A_261, %dma_wait3A_262] : memref<16x16xi32, #tpu.memory_space<vmem>> -> memref<1x16xi32, #tpu.memory_space<vmem>>
    %dma_wait3A_264 = tpu.memref_squeeze %dma_wait3A_263 : memref<1x16xi32, #tpu.memory_space<vmem>> -> memref<16xi32, #tpu.memory_space<vmem>>
    %dma_wait3A_265 = arith.constant 0 : i32
    %dma_wait3A_266 = arith.constant 0 : i32
    %dma_wait3A_267 = arith.constant 0 : i32
    %dma_wait3A_268 = tpu.memref_slice %arg4[%dma_wait3A_265, %dma_wait3A_266, %dma_wait3A_267] : memref<10240x8x256xf32, #tpu.memory_space<hbm>> -> memref<10240x8x256xf32, #tpu.memory_space<hbm>>
    tpu.wait_indirect_dma semaphore(%arg13 : memref<!tpu.dma_semaphore, #tpu.memory_space<semaphore_mem>>) src(%arg7 : memref<16x8x256xf32, #tpu.memory_space<vmem>>) dst(%dma_wait3A_268 : memref<10240x8x256xf32, #tpu.memory_space<hbm>>)
    %add3A_269 = arith.constant 160 : i32
    %add3A_270 = arith.addi %mul3A_2, %add3A_269 : i32
    %dma_start3A_271 = arith.constant 0 : i32
    %dma_start3A_272 = arith.constant 0 : i32
    %dma_start3A_273 = tpu.memref_slice %arg2[%add3A_270, %dma_start3A_271, %dma_start3A_272] : memref<8192x8x256xf32, #tpu.memory_space<hbm>> -> memref<16x8x256xf32, #tpu.memory_space<hbm>>
    %dma_start3A_274 = arith.constant 0 : i32
    %dma_start3A_275 = arith.constant 0 : i32
    %dma_start3A_276 = tpu.memref_slice %arg2[%add3A_270, %dma_start3A_274, %dma_start3A_275] : memref<8192x8x256xf32, #tpu.memory_space<hbm>> -> memref<16x8x256xf32, #tpu.memory_space<hbm>>
    tpu.enqueue_dma source(%dma_start3A_276 : memref<16x8x256xf32, #tpu.memory_space<hbm>>) target(%arg7 : memref<16x8x256xf32, #tpu.memory_space<vmem>>) target_semaphore(%arg10 : memref<!tpu.dma_semaphore, #tpu.memory_space<semaphore_mem>>)
    %dma_wait3A_277 = arith.constant 0 : i32
    %dma_wait3A_278 = arith.constant 0 : i32
    %dma_wait3A_279 = tpu.memref_slice %arg2[%add3A_240, %dma_wait3A_277, %dma_wait3A_278] : memref<8192x8x256xf32, #tpu.memory_space<hbm>> -> memref<16x8x256xf32, #tpu.memory_space<hbm>>
    %dma_wait3A_280 = arith.constant 0 : i32
    %dma_wait3A_281 = arith.constant 0 : i32
    %dma_wait3A_282 = tpu.memref_slice %arg2[%add3A_240, %dma_wait3A_280, %dma_wait3A_281] : memref<8192x8x256xf32, #tpu.memory_space<hbm>> -> memref<16x8x256xf32, #tpu.memory_space<hbm>>
    tpu.wait_dma2 semaphore(%arg9 : memref<!tpu.dma_semaphore, #tpu.memory_space<semaphore_mem>>) src(%dma_wait3A_282 : memref<16x8x256xf32, #tpu.memory_space<hbm>>) dst(%arg6 : memref<16x8x256xf32, #tpu.memory_space<vmem>>)
    %dma_start3A_283 = arith.constant 9 : i32
    %dma_start3A_284 = arith.constant 0 : i32
    %dma_start3A_285 = tpu.memref_slice %arg5[%dma_start3A_283, %dma_start3A_284] : memref<16x16xi32, #tpu.memory_space<vmem>> -> memref<1x16xi32, #tpu.memory_space<vmem>>
    %dma_start3A_286 = tpu.memref_squeeze %dma_start3A_285 : memref<1x16xi32, #tpu.memory_space<vmem>> -> memref<16xi32, #tpu.memory_space<vmem>>
    %dma_start3A_287 = arith.constant 0 : i32
    %dma_start3A_288 = arith.constant 0 : i32
    %dma_start3A_289 = arith.constant 0 : i32
    %dma_start3A_290 = tpu.memref_slice %arg4[%dma_start3A_287, %dma_start3A_288, %dma_start3A_289] : memref<10240x8x256xf32, #tpu.memory_space<hbm>> -> memref<10240x8x256xf32, #tpu.memory_space<hbm>>
    tpu.enqueue_indirect_dma source(%arg6 : memref<16x8x256xf32, #tpu.memory_space<vmem>>) target(%dma_start3A_290 : memref<10240x8x256xf32, #tpu.memory_space<hbm>>) offsets(%dma_start3A_286 : memref<16xi32, #tpu.memory_space<vmem>>) semaphore(%arg12 : memref<!tpu.dma_semaphore, #tpu.memory_space<semaphore_mem>>)
    %dma_wait3A_291 = arith.constant 8 : i32
    %dma_wait3A_292 = arith.constant 0 : i32
    %dma_wait3A_293 = tpu.memref_slice %arg5[%dma_wait3A_291, %dma_wait3A_292] : memref<16x16xi32, #tpu.memory_space<vmem>> -> memref<1x16xi32, #tpu.memory_space<vmem>>
    %dma_wait3A_294 = tpu.memref_squeeze %dma_wait3A_293 : memref<1x16xi32, #tpu.memory_space<vmem>> -> memref<16xi32, #tpu.memory_space<vmem>>
    %dma_wait3A_295 = arith.constant 0 : i32
    %dma_wait3A_296 = arith.constant 0 : i32
    %dma_wait3A_297 = arith.constant 0 : i32
    %dma_wait3A_298 = tpu.memref_slice %arg4[%dma_wait3A_295, %dma_wait3A_296, %dma_wait3A_297] : memref<10240x8x256xf32, #tpu.memory_space<hbm>> -> memref<10240x8x256xf32, #tpu.memory_space<hbm>>
    tpu.wait_indirect_dma semaphore(%arg14 : memref<!tpu.dma_semaphore, #tpu.memory_space<semaphore_mem>>) src(%arg8 : memref<16x8x256xf32, #tpu.memory_space<vmem>>) dst(%dma_wait3A_298 : memref<10240x8x256xf32, #tpu.memory_space<hbm>>)
    %add3A_299 = arith.constant 176 : i32
    %add3A_300 = arith.addi %mul3A_2, %add3A_299 : i32
    %dma_start3A_301 = arith.constant 0 : i32
    %dma_start3A_302 = arith.constant 0 : i32
    %dma_start3A_303 = tpu.memref_slice %arg2[%add3A_300, %dma_start3A_301, %dma_start3A_302] : memref<8192x8x256xf32, #tpu.memory_space<hbm>> -> memref<16x8x256xf32, #tpu.memory_space<hbm>>
    %dma_start3A_304 = arith.constant 0 : i32
    %dma_start3A_305 = arith.constant 0 : i32
    %dma_start3A_306 = tpu.memref_slice %arg2[%add3A_300, %dma_start3A_304, %dma_start3A_305] : memref<8192x8x256xf32, #tpu.memory_space<hbm>> -> memref<16x8x256xf32, #tpu.memory_space<hbm>>
    tpu.enqueue_dma source(%dma_start3A_306 : memref<16x8x256xf32, #tpu.memory_space<hbm>>) target(%arg8 : memref<16x8x256xf32, #tpu.memory_space<vmem>>) target_semaphore(%arg11 : memref<!tpu.dma_semaphore, #tpu.memory_space<semaphore_mem>>)
    %dma_wait3A_307 = arith.constant 0 : i32
    %dma_wait3A_308 = arith.constant 0 : i32
    %dma_wait3A_309 = tpu.memref_slice %arg2[%add3A_270, %dma_wait3A_307, %dma_wait3A_308] : memref<8192x8x256xf32, #tpu.memory_space<hbm>> -> memref<16x8x256xf32, #tpu.memory_space<hbm>>
    %dma_wait3A_310 = arith.constant 0 : i32
    %dma_wait3A_311 = arith.constant 0 : i32
    %dma_wait3A_312 = tpu.memref_slice %arg2[%add3A_270, %dma_wait3A_310, %dma_wait3A_311] : memref<8192x8x256xf32, #tpu.memory_space<hbm>> -> memref<16x8x256xf32, #tpu.memory_space<hbm>>
    tpu.wait_dma2 semaphore(%arg10 : memref<!tpu.dma_semaphore, #tpu.memory_space<semaphore_mem>>) src(%dma_wait3A_312 : memref<16x8x256xf32, #tpu.memory_space<hbm>>) dst(%arg7 : memref<16x8x256xf32, #tpu.memory_space<vmem>>)
    %dma_start3A_313 = arith.constant 10 : i32
    %dma_start3A_314 = arith.constant 0 : i32
    %dma_start3A_315 = tpu.memref_slice %arg5[%dma_start3A_313, %dma_start3A_314] : memref<16x16xi32, #tpu.memory_space<vmem>> -> memref<1x16xi32, #tpu.memory_space<vmem>>
    %dma_start3A_316 = tpu.memref_squeeze %dma_start3A_315 : memref<1x16xi32, #tpu.memory_space<vmem>> -> memref<16xi32, #tpu.memory_space<vmem>>
    %dma_start3A_317 = arith.constant 0 : i32
    %dma_start3A_318 = arith.constant 0 : i32
    %dma_start3A_319 = arith.constant 0 : i32
    %dma_start3A_320 = tpu.memref_slice %arg4[%dma_start3A_317, %dma_start3A_318, %dma_start3A_319] : memref<10240x8x256xf32, #tpu.memory_space<hbm>> -> memref<10240x8x256xf32, #tpu.memory_space<hbm>>
    tpu.enqueue_indirect_dma source(%arg7 : memref<16x8x256xf32, #tpu.memory_space<vmem>>) target(%dma_start3A_320 : memref<10240x8x256xf32, #tpu.memory_space<hbm>>) offsets(%dma_start3A_316 : memref<16xi32, #tpu.memory_space<vmem>>) semaphore(%arg13 : memref<!tpu.dma_semaphore, #tpu.memory_space<semaphore_mem>>)
    %dma_wait3A_321 = arith.constant 9 : i32
    %dma_wait3A_322 = arith.constant 0 : i32
    %dma_wait3A_323 = tpu.memref_slice %arg5[%dma_wait3A_321, %dma_wait3A_322] : memref<16x16xi32, #tpu.memory_space<vmem>> -> memref<1x16xi32, #tpu.memory_space<vmem>>
    %dma_wait3A_324 = tpu.memref_squeeze %dma_wait3A_323 : memref<1x16xi32, #tpu.memory_space<vmem>> -> memref<16xi32, #tpu.memory_space<vmem>>
    %dma_wait3A_325 = arith.constant 0 : i32
    %dma_wait3A_326 = arith.constant 0 : i32
    %dma_wait3A_327 = arith.constant 0 : i32
    %dma_wait3A_328 = tpu.memref_slice %arg4[%dma_wait3A_325, %dma_wait3A_326, %dma_wait3A_327] : memref<10240x8x256xf32, #tpu.memory_space<hbm>> -> memref<10240x8x256xf32, #tpu.memory_space<hbm>>
    tpu.wait_indirect_dma semaphore(%arg12 : memref<!tpu.dma_semaphore, #tpu.memory_space<semaphore_mem>>) src(%arg6 : memref<16x8x256xf32, #tpu.memory_space<vmem>>) dst(%dma_wait3A_328 : memref<10240x8x256xf32, #tpu.memory_space<hbm>>)
    %add3A_329 = arith.constant 192 : i32
    %add3A_330 = arith.addi %mul3A_2, %add3A_329 : i32
    %dma_start3A_331 = arith.constant 0 : i32
    %dma_start3A_332 = arith.constant 0 : i32
    %dma_start3A_333 = tpu.memref_slice %arg2[%add3A_330, %dma_start3A_331, %dma_start3A_332] : memref<8192x8x256xf32, #tpu.memory_space<hbm>> -> memref<16x8x256xf32, #tpu.memory_space<hbm>>
    %dma_start3A_334 = arith.constant 0 : i32
    %dma_start3A_335 = arith.constant 0 : i32
    %dma_start3A_336 = tpu.memref_slice %arg2[%add3A_330, %dma_start3A_334, %dma_start3A_335] : memref<8192x8x256xf32, #tpu.memory_space<hbm>> -> memref<16x8x256xf32, #tpu.memory_space<hbm>>
    tpu.enqueue_dma source(%dma_start3A_336 : memref<16x8x256xf32, #tpu.memory_space<hbm>>) target(%arg6 : memref<16x8x256xf32, #tpu.memory_space<vmem>>) target_semaphore(%arg9 : memref<!tpu.dma_semaphore, #tpu.memory_space<semaphore_mem>>)
    %dma_wait3A_337 = arith.constant 0 : i32
    %dma_wait3A_338 = arith.constant 0 : i32
    %dma_wait3A_339 = tpu.memref_slice %arg2[%add3A_300, %dma_wait3A_337, %dma_wait3A_338] : memref<8192x8x256xf32, #tpu.memory_space<hbm>> -> memref<16x8x256xf32, #tpu.memory_space<hbm>>
    %dma_wait3A_340 = arith.constant 0 : i32
    %dma_wait3A_341 = arith.constant 0 : i32
    %dma_wait3A_342 = tpu.memref_slice %arg2[%add3A_300, %dma_wait3A_340, %dma_wait3A_341] : memref<8192x8x256xf32, #tpu.memory_space<hbm>> -> memref<16x8x256xf32, #tpu.memory_space<hbm>>
    tpu.wait_dma2 semaphore(%arg11 : memref<!tpu.dma_semaphore, #tpu.memory_space<semaphore_mem>>) src(%dma_wait3A_342 : memref<16x8x256xf32, #tpu.memory_space<hbm>>) dst(%arg8 : memref<16x8x256xf32, #tpu.memory_space<vmem>>)
    %dma_start3A_343 = arith.constant 11 : i32
    %dma_start3A_344 = arith.constant 0 : i32
    %dma_start3A_345 = tpu.memref_slice %arg5[%dma_start3A_343, %dma_start3A_344] : memref<16x16xi32, #tpu.memory_space<vmem>> -> memref<1x16xi32, #tpu.memory_space<vmem>>
    %dma_start3A_346 = tpu.memref_squeeze %dma_start3A_345 : memref<1x16xi32, #tpu.memory_space<vmem>> -> memref<16xi32, #tpu.memory_space<vmem>>
    %dma_start3A_347 = arith.constant 0 : i32
    %dma_start3A_348 = arith.constant 0 : i32
    %dma_start3A_349 = arith.constant 0 : i32
    %dma_start3A_350 = tpu.memref_slice %arg4[%dma_start3A_347, %dma_start3A_348, %dma_start3A_349] : memref<10240x8x256xf32, #tpu.memory_space<hbm>> -> memref<10240x8x256xf32, #tpu.memory_space<hbm>>
    tpu.enqueue_indirect_dma source(%arg8 : memref<16x8x256xf32, #tpu.memory_space<vmem>>) target(%dma_start3A_350 : memref<10240x8x256xf32, #tpu.memory_space<hbm>>) offsets(%dma_start3A_346 : memref<16xi32, #tpu.memory_space<vmem>>) semaphore(%arg14 : memref<!tpu.dma_semaphore, #tpu.memory_space<semaphore_mem>>)
    %dma_wait3A_351 = arith.constant 10 : i32
    %dma_wait3A_352 = arith.constant 0 : i32
    %dma_wait3A_353 = tpu.memref_slice %arg5[%dma_wait3A_351, %dma_wait3A_352] : memref<16x16xi32, #tpu.memory_space<vmem>> -> memref<1x16xi32, #tpu.memory_space<vmem>>
    %dma_wait3A_354 = tpu.memref_squeeze %dma_wait3A_353 : memref<1x16xi32, #tpu.memory_space<vmem>> -> memref<16xi32, #tpu.memory_space<vmem>>
    %dma_wait3A_355 = arith.constant 0 : i32
    %dma_wait3A_356 = arith.constant 0 : i32
    %dma_wait3A_357 = arith.constant 0 : i32
    %dma_wait3A_358 = tpu.memref_slice %arg4[%dma_wait3A_355, %dma_wait3A_356, %dma_wait3A_357] : memref<10240x8x256xf32, #tpu.memory_space<hbm>> -> memref<10240x8x256xf32, #tpu.memory_space<hbm>>
    tpu.wait_indirect_dma semaphore(%arg13 : memref<!tpu.dma_semaphore, #tpu.memory_space<semaphore_mem>>) src(%arg7 : memref<16x8x256xf32, #tpu.memory_space<vmem>>) dst(%dma_wait3A_358 : memref<10240x8x256xf32, #tpu.memory_space<hbm>>)
    %add3A_359 = arith.constant 208 : i32
    %add3A_360 = arith.addi %mul3A_2, %add3A_359 : i32
    %dma_start3A_361 = arith.constant 0 : i32
    %dma_start3A_362 = arith.constant 0 : i32
    %dma_start3A_363 = tpu.memref_slice %arg2[%add3A_360, %dma_start3A_361, %dma_start3A_362] : memref<8192x8x256xf32, #tpu.memory_space<hbm>> -> memref<16x8x256xf32, #tpu.memory_space<hbm>>
    %dma_start3A_364 = arith.constant 0 : i32
    %dma_start3A_365 = arith.constant 0 : i32
    %dma_start3A_366 = tpu.memref_slice %arg2[%add3A_360, %dma_start3A_364, %dma_start3A_365] : memref<8192x8x256xf32, #tpu.memory_space<hbm>> -> memref<16x8x256xf32, #tpu.memory_space<hbm>>
    tpu.enqueue_dma source(%dma_start3A_366 : memref<16x8x256xf32, #tpu.memory_space<hbm>>) target(%arg7 : memref<16x8x256xf32, #tpu.memory_space<vmem>>) target_semaphore(%arg10 : memref<!tpu.dma_semaphore, #tpu.memory_space<semaphore_mem>>)
    %dma_wait3A_367 = arith.constant 0 : i32
    %dma_wait3A_368 = arith.constant 0 : i32
    %dma_wait3A_369 = tpu.memref_slice %arg2[%add3A_330, %dma_wait3A_367, %dma_wait3A_368] : memref<8192x8x256xf32, #tpu.memory_space<hbm>> -> memref<16x8x256xf32, #tpu.memory_space<hbm>>
    %dma_wait3A_370 = arith.constant 0 : i32
    %dma_wait3A_371 = arith.constant 0 : i32
    %dma_wait3A_372 = tpu.memref_slice %arg2[%add3A_330, %dma_wait3A_370, %dma_wait3A_371] : memref<8192x8x256xf32, #tpu.memory_space<hbm>> -> memref<16x8x256xf32, #tpu.memory_space<hbm>>
    tpu.wait_dma2 semaphore(%arg9 : memref<!tpu.dma_semaphore, #tpu.memory_space<semaphore_mem>>) src(%dma_wait3A_372 : memref<16x8x256xf32, #tpu.memory_space<hbm>>) dst(%arg6 : memref<16x8x256xf32, #tpu.memory_space<vmem>>)
    %dma_start3A_373 = arith.constant 12 : i32
    %dma_start3A_374 = arith.constant 0 : i32
    %dma_start3A_375 = tpu.memref_slice %arg5[%dma_start3A_373, %dma_start3A_374] : memref<16x16xi32, #tpu.memory_space<vmem>> -> memref<1x16xi32, #tpu.memory_space<vmem>>
    %dma_start3A_376 = tpu.memref_squeeze %dma_start3A_375 : memref<1x16xi32, #tpu.memory_space<vmem>> -> memref<16xi32, #tpu.memory_space<vmem>>
    %dma_start3A_377 = arith.constant 0 : i32
    %dma_start3A_378 = arith.constant 0 : i32
    %dma_start3A_379 = arith.constant 0 : i32
    %dma_start3A_380 = tpu.memref_slice %arg4[%dma_start3A_377, %dma_start3A_378, %dma_start3A_379] : memref<10240x8x256xf32, #tpu.memory_space<hbm>> -> memref<10240x8x256xf32, #tpu.memory_space<hbm>>
    tpu.enqueue_indirect_dma source(%arg6 : memref<16x8x256xf32, #tpu.memory_space<vmem>>) target(%dma_start3A_380 : memref<10240x8x256xf32, #tpu.memory_space<hbm>>) offsets(%dma_start3A_376 : memref<16xi32, #tpu.memory_space<vmem>>) semaphore(%arg12 : memref<!tpu.dma_semaphore, #tpu.memory_space<semaphore_mem>>)
    %dma_wait3A_381 = arith.constant 11 : i32
    %dma_wait3A_382 = arith.constant 0 : i32
    %dma_wait3A_383 = tpu.memref_slice %arg5[%dma_wait3A_381, %dma_wait3A_382] : memref<16x16xi32, #tpu.memory_space<vmem>> -> memref<1x16xi32, #tpu.memory_space<vmem>>
    %dma_wait3A_384 = tpu.memref_squeeze %dma_wait3A_383 : memref<1x16xi32, #tpu.memory_space<vmem>> -> memref<16xi32, #tpu.memory_space<vmem>>
    %dma_wait3A_385 = arith.constant 0 : i32
    %dma_wait3A_386 = arith.constant 0 : i32
    %dma_wait3A_387 = arith.constant 0 : i32
    %dma_wait3A_388 = tpu.memref_slice %arg4[%dma_wait3A_385, %dma_wait3A_386, %dma_wait3A_387] : memref<10240x8x256xf32, #tpu.memory_space<hbm>> -> memref<10240x8x256xf32, #tpu.memory_space<hbm>>
    tpu.wait_indirect_dma semaphore(%arg14 : memref<!tpu.dma_semaphore, #tpu.memory_space<semaphore_mem>>) src(%arg8 : memref<16x8x256xf32, #tpu.memory_space<vmem>>) dst(%dma_wait3A_388 : memref<10240x8x256xf32, #tpu.memory_space<hbm>>)
    %add3A_389 = arith.constant 224 : i32
    %add3A_390 = arith.addi %mul3A_2, %add3A_389 : i32
    %dma_start3A_391 = arith.constant 0 : i32
    %dma_start3A_392 = arith.constant 0 : i32
    %dma_start3A_393 = tpu.memref_slice %arg2[%add3A_390, %dma_start3A_391, %dma_start3A_392] : memref<8192x8x256xf32, #tpu.memory_space<hbm>> -> memref<16x8x256xf32, #tpu.memory_space<hbm>>
    %dma_start3A_394 = arith.constant 0 : i32
    %dma_start3A_395 = arith.constant 0 : i32
    %dma_start3A_396 = tpu.memref_slice %arg2[%add3A_390, %dma_start3A_394, %dma_start3A_395] : memref<8192x8x256xf32, #tpu.memory_space<hbm>> -> memref<16x8x256xf32, #tpu.memory_space<hbm>>
    tpu.enqueue_dma source(%dma_start3A_396 : memref<16x8x256xf32, #tpu.memory_space<hbm>>) target(%arg8 : memref<16x8x256xf32, #tpu.memory_space<vmem>>) target_semaphore(%arg11 : memref<!tpu.dma_semaphore, #tpu.memory_space<semaphore_mem>>)
    %dma_wait3A_397 = arith.constant 0 : i32
    %dma_wait3A_398 = arith.constant 0 : i32
    %dma_wait3A_399 = tpu.memref_slice %arg2[%add3A_360, %dma_wait3A_397, %dma_wait3A_398] : memref<8192x8x256xf32, #tpu.memory_space<hbm>> -> memref<16x8x256xf32, #tpu.memory_space<hbm>>
    %dma_wait3A_400 = arith.constant 0 : i32
    %dma_wait3A_401 = arith.constant 0 : i32
    %dma_wait3A_402 = tpu.memref_slice %arg2[%add3A_360, %dma_wait3A_400, %dma_wait3A_401] : memref<8192x8x256xf32, #tpu.memory_space<hbm>> -> memref<16x8x256xf32, #tpu.memory_space<hbm>>
    tpu.wait_dma2 semaphore(%arg10 : memref<!tpu.dma_semaphore, #tpu.memory_space<semaphore_mem>>) src(%dma_wait3A_402 : memref<16x8x256xf32, #tpu.memory_space<hbm>>) dst(%arg7 : memref<16x8x256xf32, #tpu.memory_space<vmem>>)
    %dma_start3A_403 = arith.constant 13 : i32
    %dma_start3A_404 = arith.constant 0 : i32
    %dma_start3A_405 = tpu.memref_slice %arg5[%dma_start3A_403, %dma_start3A_404] : memref<16x16xi32, #tpu.memory_space<vmem>> -> memref<1x16xi32, #tpu.memory_space<vmem>>
    %dma_start3A_406 = tpu.memref_squeeze %dma_start3A_405 : memref<1x16xi32, #tpu.memory_space<vmem>> -> memref<16xi32, #tpu.memory_space<vmem>>
    %dma_start3A_407 = arith.constant 0 : i32
    %dma_start3A_408 = arith.constant 0 : i32
    %dma_start3A_409 = arith.constant 0 : i32
    %dma_start3A_410 = tpu.memref_slice %arg4[%dma_start3A_407, %dma_start3A_408, %dma_start3A_409] : memref<10240x8x256xf32, #tpu.memory_space<hbm>> -> memref<10240x8x256xf32, #tpu.memory_space<hbm>>
    tpu.enqueue_indirect_dma source(%arg7 : memref<16x8x256xf32, #tpu.memory_space<vmem>>) target(%dma_start3A_410 : memref<10240x8x256xf32, #tpu.memory_space<hbm>>) offsets(%dma_start3A_406 : memref<16xi32, #tpu.memory_space<vmem>>) semaphore(%arg13 : memref<!tpu.dma_semaphore, #tpu.memory_space<semaphore_mem>>)
    %dma_wait3A_411 = arith.constant 12 : i32
    %dma_wait3A_412 = arith.constant 0 : i32
    %dma_wait3A_413 = tpu.memref_slice %arg5[%dma_wait3A_411, %dma_wait3A_412] : memref<16x16xi32, #tpu.memory_space<vmem>> -> memref<1x16xi32, #tpu.memory_space<vmem>>
    %dma_wait3A_414 = tpu.memref_squeeze %dma_wait3A_413 : memref<1x16xi32, #tpu.memory_space<vmem>> -> memref<16xi32, #tpu.memory_space<vmem>>
    %dma_wait3A_415 = arith.constant 0 : i32
    %dma_wait3A_416 = arith.constant 0 : i32
    %dma_wait3A_417 = arith.constant 0 : i32
    %dma_wait3A_418 = tpu.memref_slice %arg4[%dma_wait3A_415, %dma_wait3A_416, %dma_wait3A_417] : memref<10240x8x256xf32, #tpu.memory_space<hbm>> -> memref<10240x8x256xf32, #tpu.memory_space<hbm>>
    tpu.wait_indirect_dma semaphore(%arg12 : memref<!tpu.dma_semaphore, #tpu.memory_space<semaphore_mem>>) src(%arg6 : memref<16x8x256xf32, #tpu.memory_space<vmem>>) dst(%dma_wait3A_418 : memref<10240x8x256xf32, #tpu.memory_space<hbm>>)
    %add3A_419 = arith.constant 240 : i32
    %add3A_420 = arith.addi %mul3A_2, %add3A_419 : i32
    %dma_start3A_421 = arith.constant 0 : i32
    %dma_start3A_422 = arith.constant 0 : i32
    %dma_start3A_423 = tpu.memref_slice %arg2[%add3A_420, %dma_start3A_421, %dma_start3A_422] : memref<8192x8x256xf32, #tpu.memory_space<hbm>> -> memref<16x8x256xf32, #tpu.memory_space<hbm>>
    %dma_start3A_424 = arith.constant 0 : i32
    %dma_start3A_425 = arith.constant 0 : i32
    %dma_start3A_426 = tpu.memref_slice %arg2[%add3A_420, %dma_start3A_424, %dma_start3A_425] : memref<8192x8x256xf32, #tpu.memory_space<hbm>> -> memref<16x8x256xf32, #tpu.memory_space<hbm>>
    tpu.enqueue_dma source(%dma_start3A_426 : memref<16x8x256xf32, #tpu.memory_space<hbm>>) target(%arg6 : memref<16x8x256xf32, #tpu.memory_space<vmem>>) target_semaphore(%arg9 : memref<!tpu.dma_semaphore, #tpu.memory_space<semaphore_mem>>)
    %dma_wait3A_427 = arith.constant 0 : i32
    %dma_wait3A_428 = arith.constant 0 : i32
    %dma_wait3A_429 = tpu.memref_slice %arg2[%add3A_390, %dma_wait3A_427, %dma_wait3A_428] : memref<8192x8x256xf32, #tpu.memory_space<hbm>> -> memref<16x8x256xf32, #tpu.memory_space<hbm>>
    %dma_wait3A_430 = arith.constant 0 : i32
    %dma_wait3A_431 = arith.constant 0 : i32
    %dma_wait3A_432 = tpu.memref_slice %arg2[%add3A_390, %dma_wait3A_430, %dma_wait3A_431] : memref<8192x8x256xf32, #tpu.memory_space<hbm>> -> memref<16x8x256xf32, #tpu.memory_space<hbm>>
    tpu.wait_dma2 semaphore(%arg11 : memref<!tpu.dma_semaphore, #tpu.memory_space<semaphore_mem>>) src(%dma_wait3A_432 : memref<16x8x256xf32, #tpu.memory_space<hbm>>) dst(%arg8 : memref<16x8x256xf32, #tpu.memory_space<vmem>>)
    %dma_start3A_433 = arith.constant 14 : i32
    %dma_start3A_434 = arith.constant 0 : i32
    %dma_start3A_435 = tpu.memref_slice %arg5[%dma_start3A_433, %dma_start3A_434] : memref<16x16xi32, #tpu.memory_space<vmem>> -> memref<1x16xi32, #tpu.memory_space<vmem>>
    %dma_start3A_436 = tpu.memref_squeeze %dma_start3A_435 : memref<1x16xi32, #tpu.memory_space<vmem>> -> memref<16xi32, #tpu.memory_space<vmem>>
    %dma_start3A_437 = arith.constant 0 : i32
    %dma_start3A_438 = arith.constant 0 : i32
    %dma_start3A_439 = arith.constant 0 : i32
    %dma_start3A_440 = tpu.memref_slice %arg4[%dma_start3A_437, %dma_start3A_438, %dma_start3A_439] : memref<10240x8x256xf32, #tpu.memory_space<hbm>> -> memref<10240x8x256xf32, #tpu.memory_space<hbm>>
    tpu.enqueue_indirect_dma source(%arg8 : memref<16x8x256xf32, #tpu.memory_space<vmem>>) target(%dma_start3A_440 : memref<10240x8x256xf32, #tpu.memory_space<hbm>>) offsets(%dma_start3A_436 : memref<16xi32, #tpu.memory_space<vmem>>) semaphore(%arg14 : memref<!tpu.dma_semaphore, #tpu.memory_space<semaphore_mem>>)
    %dma_wait3A_441 = arith.constant 0 : i32
    %dma_wait3A_442 = arith.constant 0 : i32
    %dma_wait3A_443 = tpu.memref_slice %arg2[%add3A_420, %dma_wait3A_441, %dma_wait3A_442] : memref<8192x8x256xf32, #tpu.memory_space<hbm>> -> memref<16x8x256xf32, #tpu.memory_space<hbm>>
    %dma_wait3A_444 = arith.constant 0 : i32
    %dma_wait3A_445 = arith.constant 0 : i32
    %dma_wait3A_446 = tpu.memref_slice %arg2[%add3A_420, %dma_wait3A_444, %dma_wait3A_445] : memref<8192x8x256xf32, #tpu.memory_space<hbm>> -> memref<16x8x256xf32, #tpu.memory_space<hbm>>
    tpu.wait_dma2 semaphore(%arg9 : memref<!tpu.dma_semaphore, #tpu.memory_space<semaphore_mem>>) src(%dma_wait3A_446 : memref<16x8x256xf32, #tpu.memory_space<hbm>>) dst(%arg6 : memref<16x8x256xf32, #tpu.memory_space<vmem>>)
    %dma_start3A_447 = arith.constant 15 : i32
    %dma_start3A_448 = arith.constant 0 : i32
    %dma_start3A_449 = tpu.memref_slice %arg5[%dma_start3A_447, %dma_start3A_448] : memref<16x16xi32, #tpu.memory_space<vmem>> -> memref<1x16xi32, #tpu.memory_space<vmem>>
    %dma_start3A_450 = tpu.memref_squeeze %dma_start3A_449 : memref<1x16xi32, #tpu.memory_space<vmem>> -> memref<16xi32, #tpu.memory_space<vmem>>
    %dma_start3A_451 = arith.constant 0 : i32
    %dma_start3A_452 = arith.constant 0 : i32
    %dma_start3A_453 = arith.constant 0 : i32
    %dma_start3A_454 = tpu.memref_slice %arg4[%dma_start3A_451, %dma_start3A_452, %dma_start3A_453] : memref<10240x8x256xf32, #tpu.memory_space<hbm>> -> memref<10240x8x256xf32, #tpu.memory_space<hbm>>
    tpu.enqueue_indirect_dma source(%arg6 : memref<16x8x256xf32, #tpu.memory_space<vmem>>) target(%dma_start3A_454 : memref<10240x8x256xf32, #tpu.memory_space<hbm>>) offsets(%dma_start3A_450 : memref<16xi32, #tpu.memory_space<vmem>>) semaphore(%arg12 : memref<!tpu.dma_semaphore, #tpu.memory_space<semaphore_mem>>)
    %dma_wait3A_455 = arith.constant 13 : i32
    %dma_wait3A_456 = arith.constant 0 : i32
    %dma_wait3A_457 = tpu.memref_slice %arg5[%dma_wait3A_455, %dma_wait3A_456] : memref<16x16xi32, #tpu.memory_space<vmem>> -> memref<1x16xi32, #tpu.memory_space<vmem>>
    %dma_wait3A_458 = tpu.memref_squeeze %dma_wait3A_457 : memref<1x16xi32, #tpu.memory_space<vmem>> -> memref<16xi32, #tpu.memory_space<vmem>>
    %dma_wait3A_459 = arith.constant 0 : i32
    %dma_wait3A_460 = arith.constant 0 : i32
    %dma_wait3A_461 = arith.constant 0 : i32
    %dma_wait3A_462 = tpu.memref_slice %arg4[%dma_wait3A_459, %dma_wait3A_460, %dma_wait3A_461] : memref<10240x8x256xf32, #tpu.memory_space<hbm>> -> memref<10240x8x256xf32, #tpu.memory_space<hbm>>
    tpu.wait_indirect_dma semaphore(%arg13 : memref<!tpu.dma_semaphore, #tpu.memory_space<semaphore_mem>>) src(%arg7 : memref<16x8x256xf32, #tpu.memory_space<vmem>>) dst(%dma_wait3A_462 : memref<10240x8x256xf32, #tpu.memory_space<hbm>>)
    %dma_wait3A_463 = arith.constant 14 : i32
    %dma_wait3A_464 = arith.constant 0 : i32
    %dma_wait3A_465 = tpu.memref_slice %arg5[%dma_wait3A_463, %dma_wait3A_464] : memref<16x16xi32, #tpu.memory_space<vmem>> -> memref<1x16xi32, #tpu.memory_space<vmem>>
    %dma_wait3A_466 = tpu.memref_squeeze %dma_wait3A_465 : memref<1x16xi32, #tpu.memory_space<vmem>> -> memref<16xi32, #tpu.memory_space<vmem>>
    %dma_wait3A_467 = arith.constant 0 : i32
    %dma_wait3A_468 = arith.constant 0 : i32
    %dma_wait3A_469 = arith.constant 0 : i32
    %dma_wait3A_470 = tpu.memref_slice %arg4[%dma_wait3A_467, %dma_wait3A_468, %dma_wait3A_469] : memref<10240x8x256xf32, #tpu.memory_space<hbm>> -> memref<10240x8x256xf32, #tpu.memory_space<hbm>>
    tpu.wait_indirect_dma semaphore(%arg14 : memref<!tpu.dma_semaphore, #tpu.memory_space<semaphore_mem>>) src(%arg8 : memref<16x8x256xf32, #tpu.memory_space<vmem>>) dst(%dma_wait3A_470 : memref<10240x8x256xf32, #tpu.memory_space<hbm>>)
    %dma_wait3A_471 = arith.constant 15 : i32
    %dma_wait3A_472 = arith.constant 0 : i32
    %dma_wait3A_473 = tpu.memref_slice %arg5[%dma_wait3A_471, %dma_wait3A_472] : memref<16x16xi32, #tpu.memory_space<vmem>> -> memref<1x16xi32, #tpu.memory_space<vmem>>
    %dma_wait3A_474 = tpu.memref_squeeze %dma_wait3A_473 : memref<1x16xi32, #tpu.memory_space<vmem>> -> memref<16xi32, #tpu.memory_space<vmem>>
    %dma_wait3A_475 = arith.constant 0 : i32
    %dma_wait3A_476 = arith.constant 0 : i32
    %dma_wait3A_477 = arith.constant 0 : i32
    %dma_wait3A_478 = tpu.memref_slice %arg4[%dma_wait3A_475, %dma_wait3A_476, %dma_wait3A_477] : memref<10240x8x256xf32, #tpu.memory_space<hbm>> -> memref<10240x8x256xf32, #tpu.memory_space<hbm>>
    tpu.wait_indirect_dma semaphore(%arg12 : memref<!tpu.dma_semaphore, #tpu.memory_space<semaphore_mem>>) src(%arg6 : memref<16x8x256xf32, #tpu.memory_space<vmem>>) dst(%dma_wait3A_478 : memref<10240x8x256xf32, #tpu.memory_space<hbm>>)
    return
  }
}

#map = affine_map<(d0, d1) -> (0, 0)>
#map1 = affine_map<(d0, d1) -> (0)>
module attributes {stable_mosaic.version = 14 : i64} {
  func.func @gk(%arg0: i32, %arg1: i32, %arg2: memref<10240x1024xf32, #tpu.memory_space<hbm>>, %arg3: memref<8192xi32, #tpu.memory_space<hbm>>, %arg4: memref<8192x1024xf32, #tpu.memory_space<hbm>>, %arg5: memref<256xi32, #tpu.memory_space<vmem>>, %arg6: memref<32x1024xf32, #tpu.memory_space<vmem>>, %arg7: memref<32x1024xf32, #tpu.memory_space<vmem>>, %arg8: memref<32x1024xf32, #tpu.memory_space<vmem>>, %arg9: memref<!tpu.dma_semaphore, #tpu.memory_space<semaphore_mem>>, %arg10: memref<!tpu.dma_semaphore, #tpu.memory_space<semaphore_mem>>, %arg11: memref<!tpu.dma_semaphore, #tpu.memory_space<semaphore_mem>>, %arg12: memref<!tpu.dma_semaphore, #tpu.memory_space<semaphore_mem>>, %arg13: memref<!tpu.dma_semaphore, #tpu.memory_space<semaphore_mem>>, %arg14: memref<!tpu.dma_semaphore, #tpu.memory_space<semaphore_mem>>) attributes {dimension_semantics = [#tpu.dimension_semantics<core_parallel>, #tpu.dimension_semantics<subcore_parallel>], iteration_bounds = array<i64: 2, 16>, scalar_prefetch = 0 : i64, scratch_operands = 10 : i64, tpu.core_type = #tpu.core_type<sc_vector_subcore>, window_params = [{transform_indices = #map}, {transform_indices = #map1}, {transform_indices = #map}]} {
    %mul3A = arith.constant 2 : i32
    %mul3A_0 = arith.muli %arg1, %mul3A : i32
    %add3A = arith.addi %mul3A_0, %arg0 : i32
    %mul3A_1 = arith.constant 256 : i32
    %mul3A_2 = arith.muli %add3A, %mul3A_1 : i32
    "tpu.region"() ({
      %run_scoped3A = tpu.sem_alloc : memref<!tpu.dma_semaphore, #tpu.memory_space<semaphore_mem>>
      %dma_start3A_161 = tpu.memref_slice %arg3[%mul3A_2] : memref<8192xi32, #tpu.memory_space<hbm>> -> memref<256xi32, #tpu.memory_space<hbm>>
      %dma_start3A_162 = tpu.memref_slice %arg3[%mul3A_2] : memref<8192xi32, #tpu.memory_space<hbm>> -> memref<256xi32, #tpu.memory_space<hbm>>
      tpu.enqueue_dma source(%dma_start3A_162 : memref<256xi32, #tpu.memory_space<hbm>>) target(%arg5 : memref<256xi32, #tpu.memory_space<vmem>>) target_semaphore(%run_scoped3A : memref<!tpu.dma_semaphore, #tpu.memory_space<semaphore_mem>>)
      %dma_wait3A_163 = tpu.memref_slice %arg3[%mul3A_2] : memref<8192xi32, #tpu.memory_space<hbm>> -> memref<256xi32, #tpu.memory_space<hbm>>
      %dma_wait3A_164 = tpu.memref_slice %arg3[%mul3A_2] : memref<8192xi32, #tpu.memory_space<hbm>> -> memref<256xi32, #tpu.memory_space<hbm>>
      tpu.wait_dma2 semaphore(%run_scoped3A : memref<!tpu.dma_semaphore, #tpu.memory_space<semaphore_mem>>) src(%dma_wait3A_164 : memref<256xi32, #tpu.memory_space<hbm>>) dst(%arg5 : memref<256xi32, #tpu.memory_space<vmem>>)
      tpu.yield
    }) : () -> ()
    %dma_start3A = arith.constant 0 : i32
    %dma_start3A_3 = tpu.memref_slice %arg5[%dma_start3A] : memref<256xi32, #tpu.memory_space<vmem>> -> memref<32xi32, #tpu.memory_space<vmem>>
    %dma_start3A_4 = arith.constant 0 : i32
    %dma_start3A_5 = arith.constant 0 : i32
    %dma_start3A_6 = tpu.memref_slice %arg2[%dma_start3A_4, %dma_start3A_5] : memref<10240x1024xf32, #tpu.memory_space<hbm>> -> memref<10240x1024xf32, #tpu.memory_space<hbm>>
    tpu.enqueue_indirect_dma source(%dma_start3A_6 : memref<10240x1024xf32, #tpu.memory_space<hbm>>) target(%arg6 : memref<32x1024xf32, #tpu.memory_space<vmem>>) offsets(%dma_start3A_3 : memref<32xi32, #tpu.memory_space<vmem>>) semaphore(%arg9 : memref<!tpu.dma_semaphore, #tpu.memory_space<semaphore_mem>>)
    %dma_start3A_7 = arith.constant 32 : i32
    %dma_start3A_8 = tpu.memref_slice %arg5[%dma_start3A_7] : memref<256xi32, #tpu.memory_space<vmem>> -> memref<32xi32, #tpu.memory_space<vmem>>
    %dma_start3A_9 = arith.constant 0 : i32
    %dma_start3A_10 = arith.constant 0 : i32
    %dma_start3A_11 = tpu.memref_slice %arg2[%dma_start3A_9, %dma_start3A_10] : memref<10240x1024xf32, #tpu.memory_space<hbm>> -> memref<10240x1024xf32, #tpu.memory_space<hbm>>
    tpu.enqueue_indirect_dma source(%dma_start3A_11 : memref<10240x1024xf32, #tpu.memory_space<hbm>>) target(%arg7 : memref<32x1024xf32, #tpu.memory_space<vmem>>) offsets(%dma_start3A_8 : memref<32xi32, #tpu.memory_space<vmem>>) semaphore(%arg10 : memref<!tpu.dma_semaphore, #tpu.memory_space<semaphore_mem>>)
    %dma_wait3A = arith.constant 0 : i32
    %dma_wait3A_12 = tpu.memref_slice %arg5[%dma_wait3A] : memref<256xi32, #tpu.memory_space<vmem>> -> memref<32xi32, #tpu.memory_space<vmem>>
    %dma_wait3A_13 = arith.constant 0 : i32
    %dma_wait3A_14 = arith.constant 0 : i32
    %dma_wait3A_15 = tpu.memref_slice %arg2[%dma_wait3A_13, %dma_wait3A_14] : memref<10240x1024xf32, #tpu.memory_space<hbm>> -> memref<10240x1024xf32, #tpu.memory_space<hbm>>
    tpu.wait_indirect_dma semaphore(%arg9 : memref<!tpu.dma_semaphore, #tpu.memory_space<semaphore_mem>>) src(%dma_wait3A_15 : memref<10240x1024xf32, #tpu.memory_space<hbm>>) dst(%arg6 : memref<32x1024xf32, #tpu.memory_space<vmem>>)
    %add3A_16 = arith.constant 0 : i32
    %add3A_17 = arith.addi %mul3A_2, %add3A_16 : i32
    %dma_start3A_18 = arith.constant 0 : i32
    %dma_start3A_19 = tpu.memref_slice %arg4[%add3A_17, %dma_start3A_18] : memref<8192x1024xf32, #tpu.memory_space<hbm>> -> memref<32x1024xf32, #tpu.memory_space<hbm>>
    %dma_start3A_20 = arith.constant 0 : i32
    %dma_start3A_21 = tpu.memref_slice %arg4[%add3A_17, %dma_start3A_20] : memref<8192x1024xf32, #tpu.memory_space<hbm>> -> memref<32x1024xf32, #tpu.memory_space<hbm>>
    tpu.enqueue_dma source(%arg6 : memref<32x1024xf32, #tpu.memory_space<vmem>>) target(%dma_start3A_21 : memref<32x1024xf32, #tpu.memory_space<hbm>>) target_semaphore(%arg12 : memref<!tpu.dma_semaphore, #tpu.memory_space<semaphore_mem>>)
    %dma_start3A_22 = arith.constant 64 : i32
    %dma_start3A_23 = tpu.memref_slice %arg5[%dma_start3A_22] : memref<256xi32, #tpu.memory_space<vmem>> -> memref<32xi32, #tpu.memory_space<vmem>>
    %dma_start3A_24 = arith.constant 0 : i32
    %dma_start3A_25 = arith.constant 0 : i32
    %dma_start3A_26 = tpu.memref_slice %arg2[%dma_start3A_24, %dma_start3A_25] : memref<10240x1024xf32, #tpu.memory_space<hbm>> -> memref<10240x1024xf32, #tpu.memory_space<hbm>>
    tpu.enqueue_indirect_dma source(%dma_start3A_26 : memref<10240x1024xf32, #tpu.memory_space<hbm>>) target(%arg8 : memref<32x1024xf32, #tpu.memory_space<vmem>>) offsets(%dma_start3A_23 : memref<32xi32, #tpu.memory_space<vmem>>) semaphore(%arg11 : memref<!tpu.dma_semaphore, #tpu.memory_space<semaphore_mem>>)
    %dma_wait3A_27 = arith.constant 32 : i32
    %dma_wait3A_28 = tpu.memref_slice %arg5[%dma_wait3A_27] : memref<256xi32, #tpu.memory_space<vmem>> -> memref<32xi32, #tpu.memory_space<vmem>>
    %dma_wait3A_29 = arith.constant 0 : i32
    %dma_wait3A_30 = arith.constant 0 : i32
    %dma_wait3A_31 = tpu.memref_slice %arg2[%dma_wait3A_29, %dma_wait3A_30] : memref<10240x1024xf32, #tpu.memory_space<hbm>> -> memref<10240x1024xf32, #tpu.memory_space<hbm>>
    tpu.wait_indirect_dma semaphore(%arg10 : memref<!tpu.dma_semaphore, #tpu.memory_space<semaphore_mem>>) src(%dma_wait3A_31 : memref<10240x1024xf32, #tpu.memory_space<hbm>>) dst(%arg7 : memref<32x1024xf32, #tpu.memory_space<vmem>>)
    %add3A_32 = arith.constant 32 : i32
    %add3A_33 = arith.addi %mul3A_2, %add3A_32 : i32
    %dma_start3A_34 = arith.constant 0 : i32
    %dma_start3A_35 = tpu.memref_slice %arg4[%add3A_33, %dma_start3A_34] : memref<8192x1024xf32, #tpu.memory_space<hbm>> -> memref<32x1024xf32, #tpu.memory_space<hbm>>
    %dma_start3A_36 = arith.constant 0 : i32
    %dma_start3A_37 = tpu.memref_slice %arg4[%add3A_33, %dma_start3A_36] : memref<8192x1024xf32, #tpu.memory_space<hbm>> -> memref<32x1024xf32, #tpu.memory_space<hbm>>
    tpu.enqueue_dma source(%arg7 : memref<32x1024xf32, #tpu.memory_space<vmem>>) target(%dma_start3A_37 : memref<32x1024xf32, #tpu.memory_space<hbm>>) target_semaphore(%arg13 : memref<!tpu.dma_semaphore, #tpu.memory_space<semaphore_mem>>)
    %dma_wait3A_38 = arith.constant 0 : i32
    %dma_wait3A_39 = tpu.memref_slice %arg4[%add3A_17, %dma_wait3A_38] : memref<8192x1024xf32, #tpu.memory_space<hbm>> -> memref<32x1024xf32, #tpu.memory_space<hbm>>
    %dma_wait3A_40 = arith.constant 0 : i32
    %dma_wait3A_41 = tpu.memref_slice %arg4[%add3A_17, %dma_wait3A_40] : memref<8192x1024xf32, #tpu.memory_space<hbm>> -> memref<32x1024xf32, #tpu.memory_space<hbm>>
    tpu.wait_dma2 semaphore(%arg12 : memref<!tpu.dma_semaphore, #tpu.memory_space<semaphore_mem>>) src(%arg6 : memref<32x1024xf32, #tpu.memory_space<vmem>>) dst(%dma_wait3A_41 : memref<32x1024xf32, #tpu.memory_space<hbm>>)
    %dma_start3A_42 = arith.constant 96 : i32
    %dma_start3A_43 = tpu.memref_slice %arg5[%dma_start3A_42] : memref<256xi32, #tpu.memory_space<vmem>> -> memref<32xi32, #tpu.memory_space<vmem>>
    %dma_start3A_44 = arith.constant 0 : i32
    %dma_start3A_45 = arith.constant 0 : i32
    %dma_start3A_46 = tpu.memref_slice %arg2[%dma_start3A_44, %dma_start3A_45] : memref<10240x1024xf32, #tpu.memory_space<hbm>> -> memref<10240x1024xf32, #tpu.memory_space<hbm>>
    tpu.enqueue_indirect_dma source(%dma_start3A_46 : memref<10240x1024xf32, #tpu.memory_space<hbm>>) target(%arg6 : memref<32x1024xf32, #tpu.memory_space<vmem>>) offsets(%dma_start3A_43 : memref<32xi32, #tpu.memory_space<vmem>>) semaphore(%arg9 : memref<!tpu.dma_semaphore, #tpu.memory_space<semaphore_mem>>)
    %dma_wait3A_47 = arith.constant 64 : i32
    %dma_wait3A_48 = tpu.memref_slice %arg5[%dma_wait3A_47] : memref<256xi32, #tpu.memory_space<vmem>> -> memref<32xi32, #tpu.memory_space<vmem>>
    %dma_wait3A_49 = arith.constant 0 : i32
    %dma_wait3A_50 = arith.constant 0 : i32
    %dma_wait3A_51 = tpu.memref_slice %arg2[%dma_wait3A_49, %dma_wait3A_50] : memref<10240x1024xf32, #tpu.memory_space<hbm>> -> memref<10240x1024xf32, #tpu.memory_space<hbm>>
    tpu.wait_indirect_dma semaphore(%arg11 : memref<!tpu.dma_semaphore, #tpu.memory_space<semaphore_mem>>) src(%dma_wait3A_51 : memref<10240x1024xf32, #tpu.memory_space<hbm>>) dst(%arg8 : memref<32x1024xf32, #tpu.memory_space<vmem>>)
    %add3A_52 = arith.constant 64 : i32
    %add3A_53 = arith.addi %mul3A_2, %add3A_52 : i32
    %dma_start3A_54 = arith.constant 0 : i32
    %dma_start3A_55 = tpu.memref_slice %arg4[%add3A_53, %dma_start3A_54] : memref<8192x1024xf32, #tpu.memory_space<hbm>> -> memref<32x1024xf32, #tpu.memory_space<hbm>>
    %dma_start3A_56 = arith.constant 0 : i32
    %dma_start3A_57 = tpu.memref_slice %arg4[%add3A_53, %dma_start3A_56] : memref<8192x1024xf32, #tpu.memory_space<hbm>> -> memref<32x1024xf32, #tpu.memory_space<hbm>>
    tpu.enqueue_dma source(%arg8 : memref<32x1024xf32, #tpu.memory_space<vmem>>) target(%dma_start3A_57 : memref<32x1024xf32, #tpu.memory_space<hbm>>) target_semaphore(%arg14 : memref<!tpu.dma_semaphore, #tpu.memory_space<semaphore_mem>>)
    %dma_wait3A_58 = arith.constant 0 : i32
    %dma_wait3A_59 = tpu.memref_slice %arg4[%add3A_33, %dma_wait3A_58] : memref<8192x1024xf32, #tpu.memory_space<hbm>> -> memref<32x1024xf32, #tpu.memory_space<hbm>>
    %dma_wait3A_60 = arith.constant 0 : i32
    %dma_wait3A_61 = tpu.memref_slice %arg4[%add3A_33, %dma_wait3A_60] : memref<8192x1024xf32, #tpu.memory_space<hbm>> -> memref<32x1024xf32, #tpu.memory_space<hbm>>
    tpu.wait_dma2 semaphore(%arg13 : memref<!tpu.dma_semaphore, #tpu.memory_space<semaphore_mem>>) src(%arg7 : memref<32x1024xf32, #tpu.memory_space<vmem>>) dst(%dma_wait3A_61 : memref<32x1024xf32, #tpu.memory_space<hbm>>)
    %dma_start3A_62 = arith.constant 128 : i32
    %dma_start3A_63 = tpu.memref_slice %arg5[%dma_start3A_62] : memref<256xi32, #tpu.memory_space<vmem>> -> memref<32xi32, #tpu.memory_space<vmem>>
    %dma_start3A_64 = arith.constant 0 : i32
    %dma_start3A_65 = arith.constant 0 : i32
    %dma_start3A_66 = tpu.memref_slice %arg2[%dma_start3A_64, %dma_start3A_65] : memref<10240x1024xf32, #tpu.memory_space<hbm>> -> memref<10240x1024xf32, #tpu.memory_space<hbm>>
    tpu.enqueue_indirect_dma source(%dma_start3A_66 : memref<10240x1024xf32, #tpu.memory_space<hbm>>) target(%arg7 : memref<32x1024xf32, #tpu.memory_space<vmem>>) offsets(%dma_start3A_63 : memref<32xi32, #tpu.memory_space<vmem>>) semaphore(%arg10 : memref<!tpu.dma_semaphore, #tpu.memory_space<semaphore_mem>>)
    %dma_wait3A_67 = arith.constant 96 : i32
    %dma_wait3A_68 = tpu.memref_slice %arg5[%dma_wait3A_67] : memref<256xi32, #tpu.memory_space<vmem>> -> memref<32xi32, #tpu.memory_space<vmem>>
    %dma_wait3A_69 = arith.constant 0 : i32
    %dma_wait3A_70 = arith.constant 0 : i32
    %dma_wait3A_71 = tpu.memref_slice %arg2[%dma_wait3A_69, %dma_wait3A_70] : memref<10240x1024xf32, #tpu.memory_space<hbm>> -> memref<10240x1024xf32, #tpu.memory_space<hbm>>
    tpu.wait_indirect_dma semaphore(%arg9 : memref<!tpu.dma_semaphore, #tpu.memory_space<semaphore_mem>>) src(%dma_wait3A_71 : memref<10240x1024xf32, #tpu.memory_space<hbm>>) dst(%arg6 : memref<32x1024xf32, #tpu.memory_space<vmem>>)
    %add3A_72 = arith.constant 96 : i32
    %add3A_73 = arith.addi %mul3A_2, %add3A_72 : i32
    %dma_start3A_74 = arith.constant 0 : i32
    %dma_start3A_75 = tpu.memref_slice %arg4[%add3A_73, %dma_start3A_74] : memref<8192x1024xf32, #tpu.memory_space<hbm>> -> memref<32x1024xf32, #tpu.memory_space<hbm>>
    %dma_start3A_76 = arith.constant 0 : i32
    %dma_start3A_77 = tpu.memref_slice %arg4[%add3A_73, %dma_start3A_76] : memref<8192x1024xf32, #tpu.memory_space<hbm>> -> memref<32x1024xf32, #tpu.memory_space<hbm>>
    tpu.enqueue_dma source(%arg6 : memref<32x1024xf32, #tpu.memory_space<vmem>>) target(%dma_start3A_77 : memref<32x1024xf32, #tpu.memory_space<hbm>>) target_semaphore(%arg12 : memref<!tpu.dma_semaphore, #tpu.memory_space<semaphore_mem>>)
    %dma_wait3A_78 = arith.constant 0 : i32
    %dma_wait3A_79 = tpu.memref_slice %arg4[%add3A_53, %dma_wait3A_78] : memref<8192x1024xf32, #tpu.memory_space<hbm>> -> memref<32x1024xf32, #tpu.memory_space<hbm>>
    %dma_wait3A_80 = arith.constant 0 : i32
    %dma_wait3A_81 = tpu.memref_slice %arg4[%add3A_53, %dma_wait3A_80] : memref<8192x1024xf32, #tpu.memory_space<hbm>> -> memref<32x1024xf32, #tpu.memory_space<hbm>>
    tpu.wait_dma2 semaphore(%arg14 : memref<!tpu.dma_semaphore, #tpu.memory_space<semaphore_mem>>) src(%arg8 : memref<32x1024xf32, #tpu.memory_space<vmem>>) dst(%dma_wait3A_81 : memref<32x1024xf32, #tpu.memory_space<hbm>>)
    %dma_start3A_82 = arith.constant 160 : i32
    %dma_start3A_83 = tpu.memref_slice %arg5[%dma_start3A_82] : memref<256xi32, #tpu.memory_space<vmem>> -> memref<32xi32, #tpu.memory_space<vmem>>
    %dma_start3A_84 = arith.constant 0 : i32
    %dma_start3A_85 = arith.constant 0 : i32
    %dma_start3A_86 = tpu.memref_slice %arg2[%dma_start3A_84, %dma_start3A_85] : memref<10240x1024xf32, #tpu.memory_space<hbm>> -> memref<10240x1024xf32, #tpu.memory_space<hbm>>
    tpu.enqueue_indirect_dma source(%dma_start3A_86 : memref<10240x1024xf32, #tpu.memory_space<hbm>>) target(%arg8 : memref<32x1024xf32, #tpu.memory_space<vmem>>) offsets(%dma_start3A_83 : memref<32xi32, #tpu.memory_space<vmem>>) semaphore(%arg11 : memref<!tpu.dma_semaphore, #tpu.memory_space<semaphore_mem>>)
    %dma_wait3A_87 = arith.constant 128 : i32
    %dma_wait3A_88 = tpu.memref_slice %arg5[%dma_wait3A_87] : memref<256xi32, #tpu.memory_space<vmem>> -> memref<32xi32, #tpu.memory_space<vmem>>
    %dma_wait3A_89 = arith.constant 0 : i32
    %dma_wait3A_90 = arith.constant 0 : i32
    %dma_wait3A_91 = tpu.memref_slice %arg2[%dma_wait3A_89, %dma_wait3A_90] : memref<10240x1024xf32, #tpu.memory_space<hbm>> -> memref<10240x1024xf32, #tpu.memory_space<hbm>>
    tpu.wait_indirect_dma semaphore(%arg10 : memref<!tpu.dma_semaphore, #tpu.memory_space<semaphore_mem>>) src(%dma_wait3A_91 : memref<10240x1024xf32, #tpu.memory_space<hbm>>) dst(%arg7 : memref<32x1024xf32, #tpu.memory_space<vmem>>)
    %add3A_92 = arith.constant 128 : i32
    %add3A_93 = arith.addi %mul3A_2, %add3A_92 : i32
    %dma_start3A_94 = arith.constant 0 : i32
    %dma_start3A_95 = tpu.memref_slice %arg4[%add3A_93, %dma_start3A_94] : memref<8192x1024xf32, #tpu.memory_space<hbm>> -> memref<32x1024xf32, #tpu.memory_space<hbm>>
    %dma_start3A_96 = arith.constant 0 : i32
    %dma_start3A_97 = tpu.memref_slice %arg4[%add3A_93, %dma_start3A_96] : memref<8192x1024xf32, #tpu.memory_space<hbm>> -> memref<32x1024xf32, #tpu.memory_space<hbm>>
    tpu.enqueue_dma source(%arg7 : memref<32x1024xf32, #tpu.memory_space<vmem>>) target(%dma_start3A_97 : memref<32x1024xf32, #tpu.memory_space<hbm>>) target_semaphore(%arg13 : memref<!tpu.dma_semaphore, #tpu.memory_space<semaphore_mem>>)
    %dma_wait3A_98 = arith.constant 0 : i32
    %dma_wait3A_99 = tpu.memref_slice %arg4[%add3A_73, %dma_wait3A_98] : memref<8192x1024xf32, #tpu.memory_space<hbm>> -> memref<32x1024xf32, #tpu.memory_space<hbm>>
    %dma_wait3A_100 = arith.constant 0 : i32
    %dma_wait3A_101 = tpu.memref_slice %arg4[%add3A_73, %dma_wait3A_100] : memref<8192x1024xf32, #tpu.memory_space<hbm>> -> memref<32x1024xf32, #tpu.memory_space<hbm>>
    tpu.wait_dma2 semaphore(%arg12 : memref<!tpu.dma_semaphore, #tpu.memory_space<semaphore_mem>>) src(%arg6 : memref<32x1024xf32, #tpu.memory_space<vmem>>) dst(%dma_wait3A_101 : memref<32x1024xf32, #tpu.memory_space<hbm>>)
    %dma_start3A_102 = arith.constant 192 : i32
    %dma_start3A_103 = tpu.memref_slice %arg5[%dma_start3A_102] : memref<256xi32, #tpu.memory_space<vmem>> -> memref<32xi32, #tpu.memory_space<vmem>>
    %dma_start3A_104 = arith.constant 0 : i32
    %dma_start3A_105 = arith.constant 0 : i32
    %dma_start3A_106 = tpu.memref_slice %arg2[%dma_start3A_104, %dma_start3A_105] : memref<10240x1024xf32, #tpu.memory_space<hbm>> -> memref<10240x1024xf32, #tpu.memory_space<hbm>>
    tpu.enqueue_indirect_dma source(%dma_start3A_106 : memref<10240x1024xf32, #tpu.memory_space<hbm>>) target(%arg6 : memref<32x1024xf32, #tpu.memory_space<vmem>>) offsets(%dma_start3A_103 : memref<32xi32, #tpu.memory_space<vmem>>) semaphore(%arg9 : memref<!tpu.dma_semaphore, #tpu.memory_space<semaphore_mem>>)
    %dma_wait3A_107 = arith.constant 160 : i32
    %dma_wait3A_108 = tpu.memref_slice %arg5[%dma_wait3A_107] : memref<256xi32, #tpu.memory_space<vmem>> -> memref<32xi32, #tpu.memory_space<vmem>>
    %dma_wait3A_109 = arith.constant 0 : i32
    %dma_wait3A_110 = arith.constant 0 : i32
    %dma_wait3A_111 = tpu.memref_slice %arg2[%dma_wait3A_109, %dma_wait3A_110] : memref<10240x1024xf32, #tpu.memory_space<hbm>> -> memref<10240x1024xf32, #tpu.memory_space<hbm>>
    tpu.wait_indirect_dma semaphore(%arg11 : memref<!tpu.dma_semaphore, #tpu.memory_space<semaphore_mem>>) src(%dma_wait3A_111 : memref<10240x1024xf32, #tpu.memory_space<hbm>>) dst(%arg8 : memref<32x1024xf32, #tpu.memory_space<vmem>>)
    %add3A_112 = arith.constant 160 : i32
    %add3A_113 = arith.addi %mul3A_2, %add3A_112 : i32
    %dma_start3A_114 = arith.constant 0 : i32
    %dma_start3A_115 = tpu.memref_slice %arg4[%add3A_113, %dma_start3A_114] : memref<8192x1024xf32, #tpu.memory_space<hbm>> -> memref<32x1024xf32, #tpu.memory_space<hbm>>
    %dma_start3A_116 = arith.constant 0 : i32
    %dma_start3A_117 = tpu.memref_slice %arg4[%add3A_113, %dma_start3A_116] : memref<8192x1024xf32, #tpu.memory_space<hbm>> -> memref<32x1024xf32, #tpu.memory_space<hbm>>
    tpu.enqueue_dma source(%arg8 : memref<32x1024xf32, #tpu.memory_space<vmem>>) target(%dma_start3A_117 : memref<32x1024xf32, #tpu.memory_space<hbm>>) target_semaphore(%arg14 : memref<!tpu.dma_semaphore, #tpu.memory_space<semaphore_mem>>)
    %dma_wait3A_118 = arith.constant 0 : i32
    %dma_wait3A_119 = tpu.memref_slice %arg4[%add3A_93, %dma_wait3A_118] : memref<8192x1024xf32, #tpu.memory_space<hbm>> -> memref<32x1024xf32, #tpu.memory_space<hbm>>
    %dma_wait3A_120 = arith.constant 0 : i32
    %dma_wait3A_121 = tpu.memref_slice %arg4[%add3A_93, %dma_wait3A_120] : memref<8192x1024xf32, #tpu.memory_space<hbm>> -> memref<32x1024xf32, #tpu.memory_space<hbm>>
    tpu.wait_dma2 semaphore(%arg13 : memref<!tpu.dma_semaphore, #tpu.memory_space<semaphore_mem>>) src(%arg7 : memref<32x1024xf32, #tpu.memory_space<vmem>>) dst(%dma_wait3A_121 : memref<32x1024xf32, #tpu.memory_space<hbm>>)
    %dma_start3A_122 = arith.constant 224 : i32
    %dma_start3A_123 = tpu.memref_slice %arg5[%dma_start3A_122] : memref<256xi32, #tpu.memory_space<vmem>> -> memref<32xi32, #tpu.memory_space<vmem>>
    %dma_start3A_124 = arith.constant 0 : i32
    %dma_start3A_125 = arith.constant 0 : i32
    %dma_start3A_126 = tpu.memref_slice %arg2[%dma_start3A_124, %dma_start3A_125] : memref<10240x1024xf32, #tpu.memory_space<hbm>> -> memref<10240x1024xf32, #tpu.memory_space<hbm>>
    tpu.enqueue_indirect_dma source(%dma_start3A_126 : memref<10240x1024xf32, #tpu.memory_space<hbm>>) target(%arg7 : memref<32x1024xf32, #tpu.memory_space<vmem>>) offsets(%dma_start3A_123 : memref<32xi32, #tpu.memory_space<vmem>>) semaphore(%arg10 : memref<!tpu.dma_semaphore, #tpu.memory_space<semaphore_mem>>)
    %dma_wait3A_127 = arith.constant 192 : i32
    %dma_wait3A_128 = tpu.memref_slice %arg5[%dma_wait3A_127] : memref<256xi32, #tpu.memory_space<vmem>> -> memref<32xi32, #tpu.memory_space<vmem>>
    %dma_wait3A_129 = arith.constant 0 : i32
    %dma_wait3A_130 = arith.constant 0 : i32
    %dma_wait3A_131 = tpu.memref_slice %arg2[%dma_wait3A_129, %dma_wait3A_130] : memref<10240x1024xf32, #tpu.memory_space<hbm>> -> memref<10240x1024xf32, #tpu.memory_space<hbm>>
    tpu.wait_indirect_dma semaphore(%arg9 : memref<!tpu.dma_semaphore, #tpu.memory_space<semaphore_mem>>) src(%dma_wait3A_131 : memref<10240x1024xf32, #tpu.memory_space<hbm>>) dst(%arg6 : memref<32x1024xf32, #tpu.memory_space<vmem>>)
    %add3A_132 = arith.constant 192 : i32
    %add3A_133 = arith.addi %mul3A_2, %add3A_132 : i32
    %dma_start3A_134 = arith.constant 0 : i32
    %dma_start3A_135 = tpu.memref_slice %arg4[%add3A_133, %dma_start3A_134] : memref<8192x1024xf32, #tpu.memory_space<hbm>> -> memref<32x1024xf32, #tpu.memory_space<hbm>>
    %dma_start3A_136 = arith.constant 0 : i32
    %dma_start3A_137 = tpu.memref_slice %arg4[%add3A_133, %dma_start3A_136] : memref<8192x1024xf32, #tpu.memory_space<hbm>> -> memref<32x1024xf32, #tpu.memory_space<hbm>>
    tpu.enqueue_dma source(%arg6 : memref<32x1024xf32, #tpu.memory_space<vmem>>) target(%dma_start3A_137 : memref<32x1024xf32, #tpu.memory_space<hbm>>) target_semaphore(%arg12 : memref<!tpu.dma_semaphore, #tpu.memory_space<semaphore_mem>>)
    %dma_wait3A_138 = arith.constant 224 : i32
    %dma_wait3A_139 = tpu.memref_slice %arg5[%dma_wait3A_138] : memref<256xi32, #tpu.memory_space<vmem>> -> memref<32xi32, #tpu.memory_space<vmem>>
    %dma_wait3A_140 = arith.constant 0 : i32
    %dma_wait3A_141 = arith.constant 0 : i32
    %dma_wait3A_142 = tpu.memref_slice %arg2[%dma_wait3A_140, %dma_wait3A_141] : memref<10240x1024xf32, #tpu.memory_space<hbm>> -> memref<10240x1024xf32, #tpu.memory_space<hbm>>
    tpu.wait_indirect_dma semaphore(%arg10 : memref<!tpu.dma_semaphore, #tpu.memory_space<semaphore_mem>>) src(%dma_wait3A_142 : memref<10240x1024xf32, #tpu.memory_space<hbm>>) dst(%arg7 : memref<32x1024xf32, #tpu.memory_space<vmem>>)
    %add3A_143 = arith.constant 224 : i32
    %add3A_144 = arith.addi %mul3A_2, %add3A_143 : i32
    %dma_start3A_145 = arith.constant 0 : i32
    %dma_start3A_146 = tpu.memref_slice %arg4[%add3A_144, %dma_start3A_145] : memref<8192x1024xf32, #tpu.memory_space<hbm>> -> memref<32x1024xf32, #tpu.memory_space<hbm>>
    %dma_start3A_147 = arith.constant 0 : i32
    %dma_start3A_148 = tpu.memref_slice %arg4[%add3A_144, %dma_start3A_147] : memref<8192x1024xf32, #tpu.memory_space<hbm>> -> memref<32x1024xf32, #tpu.memory_space<hbm>>
    tpu.enqueue_dma source(%arg7 : memref<32x1024xf32, #tpu.memory_space<vmem>>) target(%dma_start3A_148 : memref<32x1024xf32, #tpu.memory_space<hbm>>) target_semaphore(%arg13 : memref<!tpu.dma_semaphore, #tpu.memory_space<semaphore_mem>>)
    %dma_wait3A_149 = arith.constant 0 : i32
    %dma_wait3A_150 = tpu.memref_slice %arg4[%add3A_113, %dma_wait3A_149] : memref<8192x1024xf32, #tpu.memory_space<hbm>> -> memref<32x1024xf32, #tpu.memory_space<hbm>>
    %dma_wait3A_151 = arith.constant 0 : i32
    %dma_wait3A_152 = tpu.memref_slice %arg4[%add3A_113, %dma_wait3A_151] : memref<8192x1024xf32, #tpu.memory_space<hbm>> -> memref<32x1024xf32, #tpu.memory_space<hbm>>
    tpu.wait_dma2 semaphore(%arg14 : memref<!tpu.dma_semaphore, #tpu.memory_space<semaphore_mem>>) src(%arg8 : memref<32x1024xf32, #tpu.memory_space<vmem>>) dst(%dma_wait3A_152 : memref<32x1024xf32, #tpu.memory_space<hbm>>)
    %dma_wait3A_153 = arith.constant 0 : i32
    %dma_wait3A_154 = tpu.memref_slice %arg4[%add3A_133, %dma_wait3A_153] : memref<8192x1024xf32, #tpu.memory_space<hbm>> -> memref<32x1024xf32, #tpu.memory_space<hbm>>
    %dma_wait3A_155 = arith.constant 0 : i32
    %dma_wait3A_156 = tpu.memref_slice %arg4[%add3A_133, %dma_wait3A_155] : memref<8192x1024xf32, #tpu.memory_space<hbm>> -> memref<32x1024xf32, #tpu.memory_space<hbm>>
    tpu.wait_dma2 semaphore(%arg12 : memref<!tpu.dma_semaphore, #tpu.memory_space<semaphore_mem>>) src(%arg6 : memref<32x1024xf32, #tpu.memory_space<vmem>>) dst(%dma_wait3A_156 : memref<32x1024xf32, #tpu.memory_space<hbm>>)
    %dma_wait3A_157 = arith.constant 0 : i32
    %dma_wait3A_158 = tpu.memref_slice %arg4[%add3A_144, %dma_wait3A_157] : memref<8192x1024xf32, #tpu.memory_space<hbm>> -> memref<32x1024xf32, #tpu.memory_space<hbm>>
    %dma_wait3A_159 = arith.constant 0 : i32
    %dma_wait3A_160 = tpu.memref_slice %arg4[%add3A_144, %dma_wait3A_159] : memref<8192x1024xf32, #tpu.memory_space<hbm>> -> memref<32x1024xf32, #tpu.memory_space<hbm>>
    tpu.wait_dma2 semaphore(%arg13 : memref<!tpu.dma_semaphore, #tpu.memory_space<semaphore_mem>>) src(%arg7 : memref<32x1024xf32, #tpu.memory_space<vmem>>) dst(%dma_wait3A_160 : memref<32x1024xf32, #tpu.memory_space<hbm>>)
    return
  }
}

module attributes {stable_mosaic.version = 14 : i64} {
  func.func @_mm_body(%arg0: i32, %arg1: memref<40xi32, #tpu.memory_space<smem>>, %arg2: memref<40xi32, #tpu.memory_space<smem>>, %arg3: memref<256x8x256xf32, #tpu.memory_space<vmem>>, %arg4: memref<1x8x256x1024xf32, #tpu.memory_space<vmem>>, %arg5: memref<1x1x1024xf32, #tpu.memory_space<vmem>>, %arg6: memref<256x1024xf32, #tpu.memory_space<vmem>>) attributes {dimension_semantics = [#tpu.dimension_semantics<arbitrary>], iteration_bounds = array<i64: 40>, scalar_prefetch = 2 : i64, scratch_operands = 0 : i64, tpu.core_type = #tpu.core_type<tc>, window_params = [{transform_indices = @transform_0, window_bounds = array<i64: 256, 8, 256>}, {transform_indices = @transform_1, window_bounds = array<i64: 1, 8, 256, 1024>}, {transform_indices = @transform_2, window_bounds = array<i64: 1, 1, 1024>}, {transform_indices = @transform_3, window_bounds = array<i64: 256, 1024>}]} {
    %get3A = arith.index_cast %arg0 : i32 to index
    %get3A_0 = memref.load %arg2[%get3A] : memref<40xi32, #tpu.memory_space<smem>>
    %eq3A = arith.constant 1 : i32
    %eq3A_1 = arith.cmpi eq, %get3A_0, %eq3A : i32
    %convert_element_type3A = arith.extui %eq3A_1 : i1 to i32
    %cond3A = arith.constant 0 : i32
    %cond3A_2 = arith.cmpi ne, %convert_element_type3A, %cond3A : i32
    scf.if %cond3A_2 {
      %get3A_3 = arith.constant 0 : index
      %get3A_4 = arith.constant 0 : index
      %get3A_5 = arith.constant 0 : index
      %get3A_6 = vector.load %arg5[%get3A_3, %get3A_4, %get3A_5] : memref<1x1x1024xf32, #tpu.memory_space<vmem>>, vector<1x1x1024xf32>
      %get3A_7 = vector.shape_cast %get3A_6 : vector<1x1x1024xf32> to vector<1x1024xf32>
      %get3A_8 = arith.constant 0 : index
      %get3A_9 = arith.constant 0 : index
      %get3A_10 = arith.constant 0 : index
      %get3A_11 = vector.load %arg3[%get3A_8, %get3A_9, %get3A_10] : memref<256x8x256xf32, #tpu.memory_space<vmem>>, vector<256x1x256xf32>
      %get3A_12 = vector.shape_cast %get3A_11 : vector<256x1x256xf32> to vector<256x256xf32>
      %get3A_13 = arith.constant 0 : index
      %get3A_14 = arith.constant 0 : index
      %get3A_15 = arith.constant 0 : index
      %get3A_16 = arith.constant 0 : index
      %get3A_17 = vector.load %arg4[%get3A_13, %get3A_14, %get3A_15, %get3A_16] : memref<1x8x256x1024xf32, #tpu.memory_space<vmem>>, vector<1x1x256x1024xf32>
      %get3A_18 = vector.shape_cast %get3A_17 : vector<1x1x256x1024xf32> to vector<256x1024xf32>
      %dot_general3A = arith.constant dense<0.000000e+00> : vector<256x1024xf32>
      %dot_general3A_19 = tpu.matmul %get3A_12, %get3A_18, %dot_general3A {dimension_numbers = #tpu.dot_dimension_numbers<[1], [0], [0], [1], [0, 0, 1, 1], [], []>, transpose_lhs_hint = false} : vector<256x256xf32>, vector<256x1024xf32>, vector<256x1024xf32> -> vector<256x1024xf32>
      %add3A = vector.broadcast %get3A_7 : vector<1x1024xf32> to vector<256x1024xf32>
      %add3A_20 = arith.addf %add3A, %dot_general3A_19 : vector<256x1024xf32>
      %get3A_21 = arith.constant 0 : index
      %get3A_22 = arith.constant 1 : index
      %get3A_23 = arith.constant 0 : index
      %get3A_24 = vector.load %arg3[%get3A_21, %get3A_22, %get3A_23] : memref<256x8x256xf32, #tpu.memory_space<vmem>>, vector<256x1x256xf32>
      %get3A_25 = vector.shape_cast %get3A_24 : vector<256x1x256xf32> to vector<256x256xf32>
      %get3A_26 = arith.constant 0 : index
      %get3A_27 = arith.constant 1 : index
      %get3A_28 = arith.constant 0 : index
      %get3A_29 = arith.constant 0 : index
      %get3A_30 = vector.load %arg4[%get3A_26, %get3A_27, %get3A_28, %get3A_29] : memref<1x8x256x1024xf32, #tpu.memory_space<vmem>>, vector<1x1x256x1024xf32>
      %get3A_31 = vector.shape_cast %get3A_30 : vector<1x1x256x1024xf32> to vector<256x1024xf32>
      %dot_general3A_32 = arith.constant dense<0.000000e+00> : vector<256x1024xf32>
      %dot_general3A_33 = tpu.matmul %get3A_25, %get3A_31, %dot_general3A_32 {dimension_numbers = #tpu.dot_dimension_numbers<[1], [0], [0], [1], [0, 0, 1, 1], [], []>, transpose_lhs_hint = false} : vector<256x256xf32>, vector<256x1024xf32>, vector<256x1024xf32> -> vector<256x1024xf32>
      %add3A_34 = arith.addf %add3A_20, %dot_general3A_33 : vector<256x1024xf32>
      %get3A_35 = arith.constant 0 : index
      %get3A_36 = arith.constant 2 : index
      %get3A_37 = arith.constant 0 : index
      %get3A_38 = vector.load %arg3[%get3A_35, %get3A_36, %get3A_37] : memref<256x8x256xf32, #tpu.memory_space<vmem>>, vector<256x1x256xf32>
      %get3A_39 = vector.shape_cast %get3A_38 : vector<256x1x256xf32> to vector<256x256xf32>
      %get3A_40 = arith.constant 0 : index
      %get3A_41 = arith.constant 2 : index
      %get3A_42 = arith.constant 0 : index
      %get3A_43 = arith.constant 0 : index
      %get3A_44 = vector.load %arg4[%get3A_40, %get3A_41, %get3A_42, %get3A_43] : memref<1x8x256x1024xf32, #tpu.memory_space<vmem>>, vector<1x1x256x1024xf32>
      %get3A_45 = vector.shape_cast %get3A_44 : vector<1x1x256x1024xf32> to vector<256x1024xf32>
      %dot_general3A_46 = arith.constant dense<0.000000e+00> : vector<256x1024xf32>
      %dot_general3A_47 = tpu.matmul %get3A_39, %get3A_45, %dot_general3A_46 {dimension_numbers = #tpu.dot_dimension_numbers<[1], [0], [0], [1], [0, 0, 1, 1], [], []>, transpose_lhs_hint = false} : vector<256x256xf32>, vector<256x1024xf32>, vector<256x1024xf32> -> vector<256x1024xf32>
      %add3A_48 = arith.addf %add3A_34, %dot_general3A_47 : vector<256x1024xf32>
      %get3A_49 = arith.constant 0 : index
      %get3A_50 = arith.constant 3 : index
      %get3A_51 = arith.constant 0 : index
      %get3A_52 = vector.load %arg3[%get3A_49, %get3A_50, %get3A_51] : memref<256x8x256xf32, #tpu.memory_space<vmem>>, vector<256x1x256xf32>
      %get3A_53 = vector.shape_cast %get3A_52 : vector<256x1x256xf32> to vector<256x256xf32>
      %get3A_54 = arith.constant 0 : index
      %get3A_55 = arith.constant 3 : index
      %get3A_56 = arith.constant 0 : index
      %get3A_57 = arith.constant 0 : index
      %get3A_58 = vector.load %arg4[%get3A_54, %get3A_55, %get3A_56, %get3A_57] : memref<1x8x256x1024xf32, #tpu.memory_space<vmem>>, vector<1x1x256x1024xf32>
      %get3A_59 = vector.shape_cast %get3A_58 : vector<1x1x256x1024xf32> to vector<256x1024xf32>
      %dot_general3A_60 = arith.constant dense<0.000000e+00> : vector<256x1024xf32>
      %dot_general3A_61 = tpu.matmul %get3A_53, %get3A_59, %dot_general3A_60 {dimension_numbers = #tpu.dot_dimension_numbers<[1], [0], [0], [1], [0, 0, 1, 1], [], []>, transpose_lhs_hint = false} : vector<256x256xf32>, vector<256x1024xf32>, vector<256x1024xf32> -> vector<256x1024xf32>
      %add3A_62 = arith.addf %add3A_48, %dot_general3A_61 : vector<256x1024xf32>
      %get3A_63 = arith.constant 0 : index
      %get3A_64 = arith.constant 4 : index
      %get3A_65 = arith.constant 0 : index
      %get3A_66 = vector.load %arg3[%get3A_63, %get3A_64, %get3A_65] : memref<256x8x256xf32, #tpu.memory_space<vmem>>, vector<256x1x256xf32>
      %get3A_67 = vector.shape_cast %get3A_66 : vector<256x1x256xf32> to vector<256x256xf32>
      %get3A_68 = arith.constant 0 : index
      %get3A_69 = arith.constant 4 : index
      %get3A_70 = arith.constant 0 : index
      %get3A_71 = arith.constant 0 : index
      %get3A_72 = vector.load %arg4[%get3A_68, %get3A_69, %get3A_70, %get3A_71] : memref<1x8x256x1024xf32, #tpu.memory_space<vmem>>, vector<1x1x256x1024xf32>
      %get3A_73 = vector.shape_cast %get3A_72 : vector<1x1x256x1024xf32> to vector<256x1024xf32>
      %dot_general3A_74 = arith.constant dense<0.000000e+00> : vector<256x1024xf32>
      %dot_general3A_75 = tpu.matmul %get3A_67, %get3A_73, %dot_general3A_74 {dimension_numbers = #tpu.dot_dimension_numbers<[1], [0], [0], [1], [0, 0, 1, 1], [], []>, transpose_lhs_hint = false} : vector<256x256xf32>, vector<256x1024xf32>, vector<256x1024xf32> -> vector<256x1024xf32>
      %add3A_76 = arith.addf %add3A_62, %dot_general3A_75 : vector<256x1024xf32>
      %get3A_77 = arith.constant 0 : index
      %get3A_78 = arith.constant 5 : index
      %get3A_79 = arith.constant 0 : index
      %get3A_80 = vector.load %arg3[%get3A_77, %get3A_78, %get3A_79] : memref<256x8x256xf32, #tpu.memory_space<vmem>>, vector<256x1x256xf32>
      %get3A_81 = vector.shape_cast %get3A_80 : vector<256x1x256xf32> to vector<256x256xf32>
      %get3A_82 = arith.constant 0 : index
      %get3A_83 = arith.constant 5 : index
      %get3A_84 = arith.constant 0 : index
      %get3A_85 = arith.constant 0 : index
      %get3A_86 = vector.load %arg4[%get3A_82, %get3A_83, %get3A_84, %get3A_85] : memref<1x8x256x1024xf32, #tpu.memory_space<vmem>>, vector<1x1x256x1024xf32>
      %get3A_87 = vector.shape_cast %get3A_86 : vector<1x1x256x1024xf32> to vector<256x1024xf32>
      %dot_general3A_88 = arith.constant dense<0.000000e+00> : vector<256x1024xf32>
      %dot_general3A_89 = tpu.matmul %get3A_81, %get3A_87, %dot_general3A_88 {dimension_numbers = #tpu.dot_dimension_numbers<[1], [0], [0], [1], [0, 0, 1, 1], [], []>, transpose_lhs_hint = false} : vector<256x256xf32>, vector<256x1024xf32>, vector<256x1024xf32> -> vector<256x1024xf32>
      %add3A_90 = arith.addf %add3A_76, %dot_general3A_89 : vector<256x1024xf32>
      %get3A_91 = arith.constant 0 : index
      %get3A_92 = arith.constant 6 : index
      %get3A_93 = arith.constant 0 : index
      %get3A_94 = vector.load %arg3[%get3A_91, %get3A_92, %get3A_93] : memref<256x8x256xf32, #tpu.memory_space<vmem>>, vector<256x1x256xf32>
      %get3A_95 = vector.shape_cast %get3A_94 : vector<256x1x256xf32> to vector<256x256xf32>
      %get3A_96 = arith.constant 0 : index
      %get3A_97 = arith.constant 6 : index
      %get3A_98 = arith.constant 0 : index
      %get3A_99 = arith.constant 0 : index
      %get3A_100 = vector.load %arg4[%get3A_96, %get3A_97, %get3A_98, %get3A_99] : memref<1x8x256x1024xf32, #tpu.memory_space<vmem>>, vector<1x1x256x1024xf32>
      %get3A_101 = vector.shape_cast %get3A_100 : vector<1x1x256x1024xf32> to vector<256x1024xf32>
      %dot_general3A_102 = arith.constant dense<0.000000e+00> : vector<256x1024xf32>
      %dot_general3A_103 = tpu.matmul %get3A_95, %get3A_101, %dot_general3A_102 {dimension_numbers = #tpu.dot_dimension_numbers<[1], [0], [0], [1], [0, 0, 1, 1], [], []>, transpose_lhs_hint = false} : vector<256x256xf32>, vector<256x1024xf32>, vector<256x1024xf32> -> vector<256x1024xf32>
      %add3A_104 = arith.addf %add3A_90, %dot_general3A_103 : vector<256x1024xf32>
      %get3A_105 = arith.constant 0 : index
      %get3A_106 = arith.constant 7 : index
      %get3A_107 = arith.constant 0 : index
      %get3A_108 = vector.load %arg3[%get3A_105, %get3A_106, %get3A_107] : memref<256x8x256xf32, #tpu.memory_space<vmem>>, vector<256x1x256xf32>
      %get3A_109 = vector.shape_cast %get3A_108 : vector<256x1x256xf32> to vector<256x256xf32>
      %get3A_110 = arith.constant 0 : index
      %get3A_111 = arith.constant 7 : index
      %get3A_112 = arith.constant 0 : index
      %get3A_113 = arith.constant 0 : index
      %get3A_114 = vector.load %arg4[%get3A_110, %get3A_111, %get3A_112, %get3A_113] : memref<1x8x256x1024xf32, #tpu.memory_space<vmem>>, vector<1x1x256x1024xf32>
      %get3A_115 = vector.shape_cast %get3A_114 : vector<1x1x256x1024xf32> to vector<256x1024xf32>
      %dot_general3A_116 = arith.constant dense<0.000000e+00> : vector<256x1024xf32>
      %dot_general3A_117 = tpu.matmul %get3A_109, %get3A_115, %dot_general3A_116 {dimension_numbers = #tpu.dot_dimension_numbers<[1], [0], [0], [1], [0, 0, 1, 1], [], []>, transpose_lhs_hint = false} : vector<256x256xf32>, vector<256x1024xf32>, vector<256x1024xf32> -> vector<256x1024xf32>
      %add3A_118 = arith.addf %add3A_104, %dot_general3A_117 : vector<256x1024xf32>
      %swap3A = arith.constant 0 : index
      %swap3A_119 = arith.constant 0 : index
      %swap3A_120 = vector.load %arg6[%swap3A, %swap3A_119] : memref<256x1024xf32, #tpu.memory_space<vmem>>, vector<256x1024xf32>
      tpu.vector_store %arg6[%swap3A, %swap3A_119], %add3A_118 {strides = array<i32>} : memref<256x1024xf32, #tpu.memory_space<vmem>>, vector<256x1024xf32>,
    } else {
    }
    return
  }
  func.func @transform_0(%arg0: i32, %arg1: memref<40xi32, #tpu.memory_space<smem>>, %arg2: memref<40xi32, #tpu.memory_space<smem>>) -> (i32, i32, i32) {
    %get3A = arith.index_cast %arg0 : i32 to index
    %get3A_0 = memref.load %arg2[%get3A] : memref<40xi32, #tpu.memory_space<smem>>
    %mul3A = arith.muli %get3A_0, %arg0 : i32
    %c0_i32 = arith.constant 0 : i32
    %c0_i32_1 = arith.constant 0 : i32
    %c0_i32_2 = arith.constant 0 : i32
    return %mul3A, %c0_i32, %c0_i32_1 : i32, i32, i32
  }
  func.func @transform_1(%arg0: i32, %arg1: memref<40xi32, #tpu.memory_space<smem>>, %arg2: memref<40xi32, #tpu.memory_space<smem>>) -> (i32, i32, i32, i32) {
    %get3A = arith.index_cast %arg0 : i32 to index
    %get3A_0 = memref.load %arg1[%get3A] : memref<40xi32, #tpu.memory_space<smem>>
    %c0_i32 = arith.constant 0 : i32
    %c0_i32_1 = arith.constant 0 : i32
    %c0_i32_2 = arith.constant 0 : i32
    %c0_i32_3 = arith.constant 0 : i32
    return %get3A_0, %c0_i32, %c0_i32_1, %c0_i32_2 : i32, i32, i32, i32
  }
  func.func @transform_2(%arg0: i32, %arg1: memref<40xi32, #tpu.memory_space<smem>>, %arg2: memref<40xi32, #tpu.memory_space<smem>>) -> (i32, i32, i32) {
    %get3A = arith.index_cast %arg0 : i32 to index
    %get3A_0 = memref.load %arg1[%get3A] : memref<40xi32, #tpu.memory_space<smem>>
    %c0_i32 = arith.constant 0 : i32
    %c0_i32_1 = arith.constant 0 : i32
    %c0_i32_2 = arith.constant 0 : i32
    return %get3A_0, %c0_i32, %c0_i32_1 : i32, i32, i32
  }
  func.func @transform_3(%arg0: i32, %arg1: memref<40xi32, #tpu.memory_space<smem>>, %arg2: memref<40xi32, #tpu.memory_space<smem>>) -> (i32, i32) {
    %c0_i32 = arith.constant 0 : i32
    %c0_i32_0 = arith.constant 0 : i32
    return %arg0, %c0_i32 : i32, i32
  }
}

</mosaic_0001>

<sc_bundles>
// kernel: kernel.5.cloned.1.call-start
scs
__scs_entry_jumppad:
0x0: {  	(pc) =	sbr.rel $0x88, $3  }
0x1: {  	(tag) =	ssettag $0x0;
	lr =	simm.s32 $0x1  }
0x2: {  	[smem:$0x3F9D] =	sst lr;
	_ =	strace $0xD0000000  }
0x3: {  	_ = 	snop  }
0x4: {  	_ = 	snop  }
0x5: {  	_ = 	snop  }
0x6: {  	_ = 	snop  }
0x7: {  	_ = 	snop  }
__scs_overlays_trampoline_lowered:
0x8: {  	[smem:$0x3FAC] =	sst s0  }
0x9: {  	[smem:$0x3FAD] =	sst s1  }
0xa: {  	[smem:$0x3FAE] =	sst s2  }
0xb: {  	[smem:$0x3FAF] =	sst s3  }
0xc: {  	[smem:$0x3FB0] =	sst s4  }
0xd: {  	[smem:$0x3FB1] =	sst s5  }
0xe: {  	[smem:$0x3FB2] =	sst s6  }
0xf: {  	[smem:$0x3FB3] =	sst s7  }
0x10: {  	[smem:$0x3FB4] =	sst s8  }
0x11: {  	[smem:$0x3FB5] =	sst s9;
	s0 =	simm.s32 @!p0 $0x0  }
0x12: {  	s1 =	sld [smem:$0x3F9B];
	s0 =	simm.s32 @p0 $0x1  }
0x13: {  	[smem:$0x3FB6] =	sst s0;
	s0 =	simm.s32 @!p1 $0x0  }
0x14: {  	s2 =	sld [smem:$0x3F9A];
	s0 =	simm.s32 @p1 $0x1  }
0x15: {  	[smem:$0x3FB7] =	sst s0;
	s0 =	simm.s32 @!p2 $0x0  }
0x16: {  	s3 =	sld [smem:$0x3FDB];
	s0 =	simm.s32 @p2 $0x1  }
0x17: {  	s4 =	simm.s32 $0x1BF5;
	[smem:$0x3FB9] =	sst s0  }
0x18: {  	s0 =	sld [smem:$0x3F9C];
	_ =	swait.ge [sflag:s4], $0x0  }
0x19: {  	s7 =	sld [smem:$0x3F9D]  }
0x1a: {  	s8 =	sadd.s32 $0xFFFFE003, lr  }
0x1b: {  	s9 =	sadd.s32 $0xFFFFFEF7, lr;
	s5 =	simm.s32 $0xFFFFFFFF;
	p2 =	slt.u32 s8, $0xFFFFF086  }
0x1c: {  	p1 =	slt.u32 s9, $0xF7A;
	s5 =	simm.s32 @!p2 $0x0  }
0x1d: {  	s5 =	simm.s32 @p1 $0x1;
	p0 =	seq.s32 s7, s2  }
0x1e: {  	s7 =	smul.u32 @!p0 $0xF7A, s2;
	p2 =	seq.s32 @!p0 s5, $0x0  }
0x1f: {  	s9 =	smul.u32 $0xF7A, s1;
	s8 =	simm.s32 @!p0 $0x1BF5;
	p2 =	por !p2, p0  }
0x20: {  	[sflag:s8] =	ssyncset.s32 @!p0 $0xFFFFF086;
	s6 =	sadd.s32 @!p0 s3, s7;
	s7 =	simm.s32 @!p0 $0x108  }
0x21: {  	s3 =	sadd.s32 s3, s9;
	s6 =	sadd.s32 @!p0 $0x88, s6;
	s7 =	simm.s32 @p2 $0x1082  }
0x22: {  	[simem:s7], [sflag:s8] =	dma.local @!p0 [hbm:s6], $0xF7A  }
0x23: {  	s9 =	sor.u32 $0xD0000000, s2;
	s6 =	simm.s32 $0x108;
	_ =	swait.ge @!p0 [sflag:s8], $0x0  }
0x24: {  	s3 =	sadd.s32 $0x88, s3;
	s6 =	simm.s32 @!p1 $0x1082;
	[sflag:s4] =	ssyncset.s32 $0xFFFFF086  }
0x25: {  	[simem:s6], [sflag:s4] =	dma.local [hbm:s3], $0xF7A  }
0x26: {  	[smem:$0x3F9D] =	sst s1;
	(tag) =	ssettag s2;
	_ =	strace s9  }
0x27: {  	s1 =	sld [smem:$0x3FAD]  }
0x28: {  	s2 =	sld [smem:$0x3FAE]  }
0x29: {  	s4 =	sld [smem:$0x3FB0]  }
0x2a: {  	p0 =	seq.s32 s5, $0x0;
	s5 =	sld [smem:$0x3FB1]  }
0x2b: {  	s6 =	sld [smem:$0x3FB2]  }
0x2c: {  	s7 =	sld [smem:$0x3FB3]  }
0x2d: {  	s3 =	simm.s32 $0x108;
	s8 =	sld [smem:$0x3FB4]  }
0x2e: {  	s3 =	simm.s32 @!p0 $0x1082;
	s9 =	sld [smem:$0x3FB5]  }
0x2f: {  	lr =	sadd.s32 s0, s3;
	s0 =	sld [smem:$0x3FAC]  }
0x30: {  	s3 =	sld [smem:$0x3FAF]  }
0x31: {  	[smem:$0x3FB8] =	sst s10  }
0x32: {  	s10 =	sld [smem:$0x3FB6];
	_ =	sdelay $0x3  }
0x33: {  	p0 =	seq.s32 s10, $0x1;
	s10 =	sld [smem:$0x3FB8];
	_ =	sdelay $0x3  }
0x34: {  	[smem:$0x3FB8] =	sst s10  }
0x35: {  	s10 =	sld [smem:$0x3FB7];
	_ =	sdelay $0x3  }
0x36: {  	p1 =	seq.s32 s10, $0x1;
	s10 =	sld [smem:$0x3FB8];
	_ =	sdelay $0x3  }
0x37: {  	[smem:$0x3FB8] =	sst s10  }
0x38: {  	s10 =	sld [smem:$0x3FB9]  }
0x39: {  	_ = 	snop;
	(pc) =	sbr.ind lr, $3  }
0x3a: {  	_ = 	snop  }
0x3b: {  	_ = 	snop  }
0x3c: {  	p2 =	seq.s32 s10, $0x1;
	s10 =	sld [smem:$0x3FB8]  }
0x3d: {  	_ =	shalt  }
0x3e: {  	_ =	shalt  }
0x3f: {  	_ =	shalt  }
0x40: {  	_ =	shalt  }
0x41: {  	_ =	shalt  }
0x42: {  	_ =	shalt  }
0x43: {  	_ =	shalt  }
0x44: {  	_ =	shalt  }
0x45: {  	_ =	shalt  }
0x46: {  	_ =	shalt  }
0x47: {  	_ =	shalt  }
0x48: {  	_ =	shalt  }
0x49: {  	_ =	shalt  }
0x4a: {  	_ =	shalt  }
0x4b: {  	_ =	shalt  }
0x4c: {  	_ =	shalt  }
0x4d: {  	_ =	shalt  }
0x4e: {  	_ =	shalt  }
0x4f: {  	_ =	shalt  }
0x50: {  	_ =	shalt  }
0x51: {  	_ =	shalt  }
0x52: {  	_ =	shalt  }
0x53: {  	_ =	shalt  }
0x54: {  	_ =	shalt  }
0x55: {  	_ =	shalt  }
0x56: {  	_ =	shalt  }
0x57: {  	_ =	shalt  }
0x58: {  	_ =	shalt  }
0x59: {  	_ =	shalt  }
0x5a: {  	_ =	shalt  }
0x5b: {  	_ =	shalt  }
0x5c: {  	_ =	shalt  }
0x5d: {  	_ =	shalt  }
0x5e: {  	_ =	shalt  }
0x5f: {  	_ =	shalt  }
0x60: {  	_ =	shalt  }
0x61: {  	_ =	shalt  }
0x62: {  	_ =	shalt  }
0x63: {  	_ =	shalt  }
0x64: {  	_ =	shalt  }
0x65: {  	_ =	shalt  }
0x66: {  	_ =	shalt  }
0x67: {  	_ =	shalt  }
0x68: {  	_ =	shalt  }
0x69: {  	_ =	shalt  }
0x6a: {  	_ =	shalt  }
0x6b: {  	_ =	shalt  }
0x6c: {  	_ =	shalt  }
0x6d: {  	_ =	shalt  }
0x6e: {  	_ =	shalt  }
0x6f: {  	_ =	shalt  }
0x70: {  	_ =	shalt  }
0x71: {  	_ =	shalt  }
0x72: {  	_ =	shalt  }
0x73: {  	_ =	shalt  }
0x74: {  	_ =	shalt  }
0x75: {  	_ =	shalt  }
0x76: {  	_ =	shalt  }
0x77: {  	_ =	shalt  }
0x78: {  	_ =	shalt  }
0x79: {  	_ =	shalt  }
0x7a: {  	_ =	shalt  }
0x7b: {  	_ =	shalt  }
0x7c: {  	_ =	shalt  }
0x7d: {  	_ =	shalt  }
0x7e: {  	_ =	shalt  }
0x7f: {  	_ =	shalt  }
0x80: {  	_ =	shalt  }
0x81: {  	_ =	shalt  }
0x82: {  	_ =	shalt  }
0x83: {  	_ =	shalt  }
0x84: {  	_ =	shalt  }
0x85: {  	_ =	shalt  }
0x86: {  	_ =	shalt  }
0x87: {  	_ =	shalt  }
.Lfunc_end0:
.L_simem_size_0:
called_computation_lowered:
.L_overlay_start_0:
0x88: {  	s2 =	sld [smem:$0x3FD9]  }
0x89: {  	s3 =	sld [smem:$0x3FFE];
	_ =	sdelay $0x1  }
0x8a: {  	s1 =	srdreg.scid  }
0x8b: {  	s0 =	sand.u32 $0x1, s1  }
0x8c: {  	s17 =	sshll.u32 s0, $0xA;
	s2 =	sadd.s32 s3, s2  }
0x8d: {  	s2 =	sadd.s32 s2, s17  }
0x8e: {  	[smem:$0x3FC4] =	sst s2  }
0x8f: {  	_ = 	snop  }
0x90: {  	s2 =	sld [smem:$0x3FC9]  }
0x91: {  	s18 =	sld [smem:$0x3FD0];
	(tm) =	ssettm $0x1  }
0x92: {  	s4 =	sld [smem:$0x3FFB];
	_ =	sdelay $0x3  }
0x93: {  	_ =	strace s4  }
0x94: {  	s4 =	sld [smem:$0x3FFC];
	_ =	sdelay $0x3  }
0x95: {  	_ =	strace s4  }
0x96: {  	s4 =	sld [smem:$0x3FFD];
	_ =	sdelay $0x3  }
0x97: {  	_ =	strace s4  }
0x98: {  	_ =	strace $0x8FFFFFFF  }
0x99: {  	s19 =	sld [smem:$0x3FDB];
	_ =	sdelay $0x1  }
0x9a: {  	s5 =	simm.s32 $_scs_section_size  }
0x9b: {  	s6 =	simm.s32 $_size__tile_overlayer_lowered;
	s7 =	simm.s32 $_tile_overlayer_lowered  }
0x9c: {  	s22 =	simm.s32 $0x1BFF;
	s21 =	sshll.u32 s7, $0x1;
	s4 =	sadd.s32 s5, s19  }
0x9d: {  	s8 =	simm.s32 $0x0;
	s20 =	sshll.u32 s6, $0x1;
	s6 =	sadd.s32 s21, s4  }
0x9e: {  	[timem:s8], [sflag:s22] =	dma.local [hbm:s6], s20  }
0x9f: {  	_ =	swait.ge [sflag:s22], s20  }
0xa0: {  	s5 =	ssub.s32 $0x0, s20;
	[sflag:s22] =	ssyncset.done $0x0  }
0xa1: {  	[sflag:s22] =	ssyncadd.s32 s5;
	_ =	sdelay $0x1  }
0xa2: {  	s23 =	simm.s32 $0x1B8B  }
0xa3: {  	_ =	swait.ge [sflag:s23], $0x1  }
0xa4: {  	[sflag:s23] =	ssyncset.done $0x0  }
0xa5: {  	s25 =	simm.s32 $0x1B8E;
	s24 =	sld [smem:$0x3FFE];
	[sflag:s23] =	ssyncadd.s32 $0xFFFFFFFF  }
0xa6: {  	s26 =	simm.s32 $execute0_lowered;
	[smem:$0x3FD2] =	sst s25  }
0xa7: {  	s6 =	sshll.u32 s26, $0x1;
	_ =	strace $0x80000046;
	[dreg:$0x1] =	wrdreg $0xFFFFFFFF  }
0xa8: {  	s28 =	simm.s32 $_size_execute0_lowered;
	s4 =	sadd.s32 s4, s6;
	[dreg:$0x0] =	wrdreg $0x0  }
0xa9: {  	s6 =	sshll.u32 s28, $0x1;
	[dreg:$0x2] =	wrdreg s4  }
0xaa: {  	[dreg:$0x3] =	wrdreg s6  }
0xab: {  	[dreg:$0x4] =	wrdreg $0xC0  }
0xac: {  	_ =	task [dreg:s8], $0x5FFFF  }
0xad: {  	[dreg:$0x1] =	wrdreg $0xFFFFFFFF  }
0xae: {  	[dreg:$0x0] =	wrdreg $0x60  }
0xaf: {  	[dreg:$0x2] =	wrdreg s2  }
0xb0: {  	[dreg:$0x3] =	wrdreg s18  }
0xb1: {  	[dreg:$0x4] =	wrdreg s24  }
0xb2: {  	[dreg:$0x5] =	wrdreg $0x9  }
0xb3: {  	_ =	task.clear_ibuf [dreg:s8], $0x6FFFF;
	_ =	strace $0x90000046  }
0xb4: {  	s29 =	simm.s32 $0x9;
	_ =	strace $0x80000048  }
0xb5: {  	_ =	swait.ge [sflag:s29], $0x1  }
0xb6: {  	[sflag:s29] =	ssyncadd.s32 $0xFFFFFFFF  }
0xb7: {  	_ =	strace $0x90000048  }
0xb8: {  	_ =	sfence  }
0xb9: {  	s30 =	sld [smem:$0x0];
	_ =	sdelay $0x2  }
0xba: {  	s31 =	sshll.u32 s1, $0xD;
	s1 =	sshrl.u32 s1, $0x2  }
0xbb: {  	s3 =	sand.u32 $0x4000, s31;
	s1 =	sadd.s32 s1, s30  }
0xbc: {  	s0 =	sor.u32 s3, s0;
	s1 =	sshll.u32 s1, $0x11  }
0xbd: {  	s0 =	sor.u32 s1, s0  }
0xbe: {  	s0 =	sadd.s32 $0x8F2B, s0  }
0xbf: {  	[sflag:s0] =	ssyncadd.remote.s32 $0x1  }
0xc0: {  	_ =	sfence.sel $0xFFFF  }
0xc1: {  	[dreg:$0x0] =	wrdreg $0xFFFFFFFF;
	(pc) =	sbr.abs _section_cstart, $3  }
0xc2: {  	[dreg:$0x1] =	wrdreg $0xFFFFFFFF  }
0xc3: {  	_ =	task.clear_ibuf [dreg:s8], $0x2FFFF;
	_ =	strace $0x9FFFFFFF  }
0xc4: {  	(tm) =	ssettm $0x7FFFFFFF  }
0xc5: {  	_ =	shalt  }
tec
execute0_lowered:
.L_overlay_start_1:
0x0: {  	(tag) =	ssettag $0x1  }
0x1: {  	s4 =	rddreg [dreg:$0x0]  }
0x2: {  	s5 =	rddreg [dreg:$0x1]  }
0x3: {  	s3 =	rddreg [dreg:$0x2];
	s2 =	simm.s32 $0x0  }
0x4: {  	s6 =	srdreg.scid;
	s1 =	stileid.u32;
	s21 =	simm.s32 $0x7  }
0x5: {  	s22 =	simm.s32 $0x800;
	s23 =	simm.s32 $0x8800;
	s24 =	simm.s32 $0x1  }
0x6: {  	s25 =	simm.s32 $0x10800;
	s28 =	simm.s32 $0x4;
	s29 =	simm.s32 $0x3  }
0x7: {  	s30 =	simm.s32 $0x5;
	s31 =	simm.s32 $0x6;
	[smem:$0x7FF] =	sst s2  }
0x8: {  	s6 =	sand.u32 $0x1, s6;
	s7 =	sshll.u32 s1, $0x1;
	s3 =	sadd.s32 $0x600, s3  }
0x9: {  	_ =	strace $0x80000047;
	s8 =	ssub.s32 $0x2, s6;
	s6 =	sor.u32 s6, s7  }
0xa: {  	s26 =	sshrl.u32 s8, $0x1;
	s9 =	sshll.u32 s6, $0x8;
	s6 =	sshll.u32 s6, $0x10  }
0xb: {  	s20 =	ssub.s32 s8, s26;
	s5 =	sadd.s32 s5, s9;
	s4 =	sadd.s32 s4, s6  }
0xc: {  	s26 =	simm.s32 $0x2;
	[dreg:$0x4] =	wrdreg s5;
	s5 =	sadd.s32 $0x1000, s4  }
0xd: {  	s6 =	sadd.s32 $0x2000, s4;
	s7 =	sadd.s32 $0x3000, s4;
	s8 =	sadd.s32 $0x4000, s4  }
0xe: {  	s9 =	sadd.s32 $0x5000, s4;
	s10 =	sadd.s32 $0x6000, s4;
	s11 =	sadd.s32 $0x7000, s4  }
0xf: {  	s12 =	sadd.s32 $0x8000, s4;
	s13 =	sadd.s32 $0x9000, s4;
	s14 =	sadd.s32 $0xA000, s4  }
0x10: {  	s15 =	sadd.s32 $0xB000, s4;
	s16 =	sadd.s32 $0xC000, s4;
	s17 =	sadd.s32 $0xD000, s4  }
0x11: {  	v0 =	vlaneseq.u32;
	vm0 =	vmmov $0xffff;
	s18 =	sadd.s32 $0xE000, s4;
	s19 =	sadd.s32 $0xF000, s4;
	s20 =	smax.u32 s20, $0x1  }
.LBB2_1:
0x12: {  	s0 =	rddreg [dreg:$0x4]  }
0x13: {  	[tilespmem:s2], [sflag:$0x7] =	stream.linear.gather [hbm4b:s0+s2], $0x800, $0x38;
	[tilespmem:$0x18800] =	vst v63  }
0x14: {  	_ =	swait.ge [sflag:s21], $0x800  }
0x15: {  	[sflag:s21] =	ssyncset.done $0x0  }
0x16: {  	[sflag:s21] =	ssyncadd.s32 $0xFFFFF800  }
0x17: {  	[tilespmem:s22], [sflag:$0x1] =	stream.linear.gather [hbm4b:s4+s2], $0x8000, $0x38;
	[tilespmem:$0x18800] =	vst v63  }
0x18: {  	_ = 	snop  }
0x19: {  	[tilespmem:s23], [sflag:$0x2] =	stream.linear.gather [hbm4b:s5+s2], $0x8000, $0x38;
	[tilespmem:$0x18800] =	vst v63  }
0x1a: {  	_ =	swait.ge [sflag:s24], $0x8000  }
0x1b: {  	[sflag:s24] =	ssyncset.done $0x0  }
0x1c: {  	[sflag:s24] =	ssyncadd.s32 $0xFFFF8000  }
0x1d: {  	v1 =	vld [tilespmem:$0x0];
	_ =	sdelay $0x4  }
0x1e: {  	v1 =	vshll.u32 v1, $0xB  }
0x1f: {  	v1 =	vperm.xlane v1, v0;
	_ =	sdelay $0x5  }
0x20: {  	[hbm4b:s3+s2] =	stream.indirect_vreg.scatter [tilespmem:s22], [sflag:$0x4], $0x800, v1, vm0, $0x38;
	[tilespmem:$0x18800] =	vst v63  }
0x21: {  	_ = 	snop  }
0x22: {  	[tilespmem:s25], [sflag:$0x3] =	stream.linear.gather [hbm4b:s6+s2], $0x8000, $0x38;
	[tilespmem:$0x18800] =	vst v63  }
0x23: {  	_ =	swait.ge [sflag:s26], $0x8000  }
0x24: {  	[sflag:s26] =	ssyncset.done $0x0  }
0x25: {  	[sflag:s26] =	ssyncadd.s32 $0xFFFF8000  }
0x26: {  	v1 =	vld [tilespmem:$0x80];
	_ =	sdelay $0x4  }
0x27: {  	v1 =	vshll.u32 v1, $0xB  }
0x28: {  	v1 =	vperm.xlane v1, v0;
	_ =	sdelay $0x5  }
0x29: {  	[hbm4b:s3+s2] =	stream.indirect_vreg.scatter [tilespmem:s23], [sflag:$0x5], $0x800, v1, vm0, $0x38;
	[tilespmem:$0x18800] =	vst v63  }
0x2a: {  	_ =	swait.ge [sflag:s28], $0x8000  }
0x2b: {  	[sflag:s28] =	ssyncset.done $0x0  }
0x2c: {  	[sflag:s28] =	ssyncadd.s32 $0xFFFF8000  }
0x2d: {  	[tilespmem:s22], [sflag:$0x1] =	stream.linear.gather [hbm4b:s7+s2], $0x8000, $0x38;
	[tilespmem:$0x18800] =	vst v63  }
0x2e: {  	_ =	swait.ge [sflag:s29], $0x8000  }
0x2f: {  	[sflag:s29] =	ssyncset.done $0x0  }
0x30: {  	[sflag:s29] =	ssyncadd.s32 $0xFFFF8000  }
0x31: {  	v1 =	vld [tilespmem:$0x100];
	_ =	sdelay $0x4  }
0x32: {  	v1 =	vshll.u32 v1, $0xB  }
0x33: {  	v1 =	vperm.xlane v1, v0;
	_ =	sdelay $0x5  }
0x34: {  	[hbm4b:s3+s2] =	stream.indirect_vreg.scatter [tilespmem:s25], [sflag:$0x6], $0x800, v1, vm0, $0x38;
	[tilespmem:$0x18800] =	vst v63  }
0x35: {  	_ =	swait.ge [sflag:s30], $0x8000  }
0x36: {  	[sflag:s30] =	ssyncset.done $0x0  }
0x37: {  	[sflag:s30] =	ssyncadd.s32 $0xFFFF8000  }
0x38: {  	[tilespmem:s23], [sflag:$0x2] =	stream.linear.gather [hbm4b:s8+s2], $0x8000, $0x38;
	[tilespmem:$0x18800] =	vst v63  }
0x39: {  	_ =	swait.ge [sflag:s24], $0x8000  }
0x3a: {  	[sflag:s24] =	ssyncset.done $0x0  }
0x3b: {  	[sflag:s24] =	ssyncadd.s32 $0xFFFF8000  }
0x3c: {  	v1 =	vld [tilespmem:$0x180];
	_ =	sdelay $0x4  }
0x3d: {  	v1 =	vshll.u32 v1, $0xB  }
0x3e: {  	v1 =	vperm.xlane v1, v0;
	_ =	sdelay $0x5  }
0x3f: {  	[hbm4b:s3+s2] =	stream.indirect_vreg.scatter [tilespmem:s22], [sflag:$0x4], $0x800, v1, vm0, $0x38;
	[tilespmem:$0x18800] =	vst v63  }
0x40: {  	_ =	swait.ge [sflag:s31], $0x8000  }
0x41: {  	[sflag:s31] =	ssyncset.done $0x0  }
0x42: {  	[sflag:s31] =	ssyncadd.s32 $0xFFFF8000  }
0x43: {  	[tilespmem:s25], [sflag:$0x3] =	stream.linear.gather [hbm4b:s9+s2], $0x8000, $0x38;
	[tilespmem:$0x18800] =	vst v63  }
0x44: {  	_ =	swait.ge [sflag:s26], $0x8000  }
0x45: {  	[sflag:s26] =	ssyncset.done $0x0  }
0x46: {  	[sflag:s26] =	ssyncadd.s32 $0xFFFF8000  }
0x47: {  	v1 =	vld [tilespmem:$0x200];
	_ =	sdelay $0x4  }
0x48: {  	v1 =	vshll.u32 v1, $0xB  }
0x49: {  	v1 =	vperm.xlane v1, v0;
	_ =	sdelay $0x5  }
0x4a: {  	[hbm4b:s3+s2] =	stream.indirect_vreg.scatter [tilespmem:s23], [sflag:$0x5], $0x800, v1, vm0, $0x38;
	[tilespmem:$0x18800] =	vst v63  }
0x4b: {  	_ =	swait.ge [sflag:s28], $0x8000  }
0x4c: {  	[sflag:s28] =	ssyncset.done $0x0  }
0x4d: {  	[sflag:s28] =	ssyncadd.s32 $0xFFFF8000  }
0x4e: {  	[tilespmem:s22], [sflag:$0x1] =	stream.linear.gather [hbm4b:s10+s2], $0x8000, $0x38;
	[tilespmem:$0x18800] =	vst v63  }
0x4f: {  	_ =	swait.ge [sflag:s29], $0x8000  }
0x50: {  	[sflag:s29] =	ssyncset.done $0x0  }
0x51: {  	[sflag:s29] =	ssyncadd.s32 $0xFFFF8000  }
0x52: {  	v1 =	vld [tilespmem:$0x280];
	_ =	sdelay $0x4  }
0x53: {  	v1 =	vshll.u32 v1, $0xB  }
0x54: {  	v1 =	vperm.xlane v1, v0;
	_ =	sdelay $0x5  }
0x55: {  	[hbm4b:s3+s2] =	stream.indirect_vreg.scatter [tilespmem:s25], [sflag:$0x6], $0x800, v1, vm0, $0x38;
	[tilespmem:$0x18800] =	vst v63  }
0x56: {  	_ =	swait.ge [sflag:s30], $0x8000  }
0x57: {  	[sflag:s30] =	ssyncset.done $0x0  }
0x58: {  	[sflag:s30] =	ssyncadd.s32 $0xFFFF8000  }
0x59: {  	[tilespmem:s23], [sflag:$0x2] =	stream.linear.gather [hbm4b:s11+s2], $0x8000, $0x38;
	[tilespmem:$0x18800] =	vst v63  }
0x5a: {  	_ =	swait.ge [sflag:s24], $0x8000  }
0x5b: {  	[sflag:s24] =	ssyncset.done $0x0  }
0x5c: {  	[sflag:s24] =	ssyncadd.s32 $0xFFFF8000  }
0x5d: {  	v1 =	vld [tilespmem:$0x300];
	_ =	sdelay $0x4  }
0x5e: {  	v1 =	vshll.u32 v1, $0xB  }
0x5f: {  	v1 =	vperm.xlane v1, v0;
	_ =	sdelay $0x5  }
0x60: {  	[hbm4b:s3+s2] =	stream.indirect_vreg.scatter [tilespmem:s22], [sflag:$0x4], $0x800, v1, vm0, $0x38;
	[tilespmem:$0x18800] =	vst v63  }
0x61: {  	_ =	swait.ge [sflag:s31], $0x8000  }
0x62: {  	[sflag:s31] =	ssyncset.done $0x0  }
0x63: {  	[sflag:s31] =	ssyncadd.s32 $0xFFFF8000  }
0x64: {  	[tilespmem:s25], [sflag:$0x3] =	stream.linear.gather [hbm4b:s12+s2], $0x8000, $0x38;
	[tilespmem:$0x18800] =	vst v63  }
0x65: {  	_ =	swait.ge [sflag:s26], $0x8000  }
0x66: {  	[sflag:s26] =	ssyncset.done $0x0  }
0x67: {  	[sflag:s26] =	ssyncadd.s32 $0xFFFF8000  }
0x68: {  	v1 =	vld [tilespmem:$0x380];
	_ =	sdelay $0x4  }
0x69: {  	v1 =	vshll.u32 v1, $0xB  }
0x6a: {  	v1 =	vperm.xlane v1, v0;
	_ =	sdelay $0x5  }
0x6b: {  	[hbm4b:s3+s2] =	stream.indirect_vreg.scatter [tilespmem:s23], [sflag:$0x5], $0x800, v1, vm0, $0x38;
	[tilespmem:$0x18800] =	vst v63  }
0x6c: {  	_ =	swait.ge [sflag:s28], $0x8000  }
0x6d: {  	[sflag:s28] =	ssyncset.done $0x0  }
0x6e: {  	[sflag:s28] =	ssyncadd.s32 $0xFFFF8000  }
0x6f: {  	[tilespmem:s22], [sflag:$0x1] =	stream.linear.gather [hbm4b:s13+s2], $0x8000, $0x38;
	[tilespmem:$0x18800] =	vst v63  }
0x70: {  	_ =	swait.ge [sflag:s29], $0x8000  }
0x71: {  	[sflag:s29] =	ssyncset.done $0x0  }
0x72: {  	[sflag:s29] =	ssyncadd.s32 $0xFFFF8000  }
0x73: {  	v1 =	vld [tilespmem:$0x400];
	_ =	sdelay $0x4  }
0x74: {  	v1 =	vshll.u32 v1, $0xB  }
0x75: {  	v1 =	vperm.xlane v1, v0;
	_ =	sdelay $0x5  }
0x76: {  	[hbm4b:s3+s2] =	stream.indirect_vreg.scatter [tilespmem:s25], [sflag:$0x6], $0x800, v1, vm0, $0x38;
	[tilespmem:$0x18800] =	vst v63  }
0x77: {  	_ =	swait.ge [sflag:s30], $0x8000  }
0x78: {  	[sflag:s30] =	ssyncset.done $0x0  }
0x79: {  	[sflag:s30] =	ssyncadd.s32 $0xFFFF8000  }
0x7a: {  	[tilespmem:s23], [sflag:$0x2] =	stream.linear.gather [hbm4b:s14+s2], $0x8000, $0x38;
	[tilespmem:$0x18800] =	vst v63  }
0x7b: {  	_ =	swait.ge [sflag:s24], $0x8000  }
0x7c: {  	[sflag:s24] =	ssyncset.done $0x0  }
0x7d: {  	[sflag:s24] =	ssyncadd.s32 $0xFFFF8000  }
0x7e: {  	v1 =	vld [tilespmem:$0x480];
	_ =	sdelay $0x4  }
0x7f: {  	v1 =	vshll.u32 v1, $0xB  }
0x80: {  	v1 =	vperm.xlane v1, v0;
	_ =	sdelay $0x5  }
0x81: {  	[hbm4b:s3+s2] =	stream.indirect_vreg.scatter [tilespmem:s22], [sflag:$0x4], $0x800, v1, vm0, $0x38;
	[tilespmem:$0x18800] =	vst v63  }
0x82: {  	_ =	swait.ge [sflag:s31], $0x8000  }
0x83: {  	[sflag:s31] =	ssyncset.done $0x0  }
0x84: {  	[sflag:s31] =	ssyncadd.s32 $0xFFFF8000  }
0x85: {  	[tilespmem:s25], [sflag:$0x3] =	stream.linear.gather [hbm4b:s15+s2], $0x8000, $0x38;
	[tilespmem:$0x18800] =	vst v63  }
0x86: {  	_ =	swait.ge [sflag:s26], $0x8000  }
0x87: {  	[sflag:s26] =	ssyncset.done $0x0  }
0x88: {  	[sflag:s26] =	ssyncadd.s32 $0xFFFF8000  }
0x89: {  	v1 =	vld [tilespmem:$0x500];
	_ =	sdelay $0x4  }
0x8a: {  	v1 =	vshll.u32 v1, $0xB  }
0x8b: {  	v1 =	vperm.xlane v1, v0;
	_ =	sdelay $0x5  }
0x8c: {  	[hbm4b:s3+s2] =	stream.indirect_vreg.scatter [tilespmem:s23], [sflag:$0x5], $0x800, v1, vm0, $0x38;
	[tilespmem:$0x18800] =	vst v63  }
0x8d: {  	_ =	swait.ge [sflag:s28], $0x8000  }
0x8e: {  	[sflag:s28] =	ssyncset.done $0x0  }
0x8f: {  	[sflag:s28] =	ssyncadd.s32 $0xFFFF8000  }
0x90: {  	[tilespmem:s22], [sflag:$0x1] =	stream.linear.gather [hbm4b:s16+s2], $0x8000, $0x38;
	[tilespmem:$0x18800] =	vst v63  }
0x91: {  	_ =	swait.ge [sflag:s29], $0x8000  }
0x92: {  	[sflag:s29] =	ssyncset.done $0x0  }
0x93: {  	[sflag:s29] =	ssyncadd.s32 $0xFFFF8000  }
0x94: {  	v1 =	vld [tilespmem:$0x580];
	_ =	sdelay $0x4  }
0x95: {  	v1 =	vshll.u32 v1, $0xB  }
0x96: {  	v1 =	vperm.xlane v1, v0;
	_ =	sdelay $0x5  }
0x97: {  	[hbm4b:s3+s2] =	stream.indirect_vreg.scatter [tilespmem:s25], [sflag:$0x6], $0x800, v1, vm0, $0x38;
	[tilespmem:$0x18800] =	vst v63  }
0x98: {  	_ =	swait.ge [sflag:s30], $0x8000  }
0x99: {  	[sflag:s30] =	ssyncset.done $0x0  }
0x9a: {  	[sflag:s30] =	ssyncadd.s32 $0xFFFF8000  }
0x9b: {  	[tilespmem:s23], [sflag:$0x2] =	stream.linear.gather [hbm4b:s17+s2], $0x8000, $0x38;
	[tilespmem:$0x18800] =	vst v63  }
0x9c: {  	_ =	swait.ge [sflag:s24], $0x8000  }
0x9d: {  	[sflag:s24] =	ssyncset.done $0x0  }
0x9e: {  	[sflag:s24] =	ssyncadd.s32 $0xFFFF8000  }
0x9f: {  	v1 =	vld [tilespmem:$0x600];
	_ =	sdelay $0x4  }
0xa0: {  	v1 =	vshll.u32 v1, $0xB  }
0xa1: {  	v1 =	vperm.xlane v1, v0;
	_ =	sdelay $0x5  }
0xa2: {  	[hbm4b:s3+s2] =	stream.indirect_vreg.scatter [tilespmem:s22], [sflag:$0x4], $0x800, v1, vm0, $0x38;
	[tilespmem:$0x18800] =	vst v63  }
0xa3: {  	_ =	swait.ge [sflag:s31], $0x8000  }
0xa4: {  	[sflag:s31] =	ssyncset.done $0x0  }
0xa5: {  	[sflag:s31] =	ssyncadd.s32 $0xFFFF8000  }
0xa6: {  	[tilespmem:s25], [sflag:$0x3] =	stream.linear.gather [hbm4b:s18+s2], $0x8000, $0x38;
	[tilespmem:$0x18800] =	vst v63  }
0xa7: {  	_ =	swait.ge [sflag:s26], $0x8000  }
0xa8: {  	[sflag:s26] =	ssyncset.done $0x0  }
0xa9: {  	[sflag:s26] =	ssyncadd.s32 $0xFFFF8000  }
0xaa: {  	v1 =	vld [tilespmem:$0x680];
	_ =	sdelay $0x4  }
0xab: {  	v1 =	vshll.u32 v1, $0xB  }
0xac: {  	v1 =	vperm.xlane v1, v0;
	_ =	sdelay $0x5  }
0xad: {  	[hbm4b:s3+s2] =	stream.indirect_vreg.scatter [tilespmem:s23], [sflag:$0x5], $0x800, v1, vm0, $0x38;
	[tilespmem:$0x18800] =	vst v63  }
0xae: {  	_ =	swait.ge [sflag:s28], $0x8000  }
0xaf: {  	[sflag:s28] =	ssyncset.done $0x0  }
0xb0: {  	[sflag:s28] =	ssyncadd.s32 $0xFFFF8000  }
0xb1: {  	[tilespmem:s22], [sflag:$0x1] =	stream.linear.gather [hbm4b:s19+s2], $0x8000, $0x38;
	[tilespmem:$0x18800] =	vst v63  }
0xb2: {  	_ =	swait.ge [sflag:s29], $0x8000  }
0xb3: {  	[sflag:s29] =	ssyncset.done $0x0  }
0xb4: {  	[sflag:s29] =	ssyncadd.s32 $0xFFFF8000  }
0xb5: {  	v1 =	vld [tilespmem:$0x700];
	_ =	sdelay $0x4  }
0xb6: {  	v1 =	vshll.u32 v1, $0xB  }
0xb7: {  	v1 =	vperm.xlane v1, v0;
	_ =	sdelay $0x5  }
0xb8: {  	[hbm4b:s3+s2] =	stream.indirect_vreg.scatter [tilespmem:s25], [sflag:$0x6], $0x800, v1, vm0, $0x38;
	[tilespmem:$0x18800] =	vst v63  }
0xb9: {  	_ =	swait.ge [sflag:s24], $0x8000  }
0xba: {  	[sflag:s24] =	ssyncset.done $0x0  }
0xbb: {  	[sflag:s24] =	ssyncadd.s32 $0xFFFF8000  }
0xbc: {  	v1 =	vld [tilespmem:$0x780];
	_ =	sdelay $0x4  }
0xbd: {  	v1 =	vshll.u32 v1, $0xB  }
0xbe: {  	v1 =	vperm.xlane v1, v0;
	_ =	sdelay $0x5  }
0xbf: {  	[hbm4b:s3+s2] =	stream.indirect_vreg.scatter [tilespmem:s22], [sflag:$0x4], $0x800, v1, vm0, $0x38;
	[tilespmem:$0x18800] =	vst v63  }
0xc0: {  	_ =	swait.ge [sflag:s30], $0x8000  }
0xc1: {  	[sflag:s30] =	ssyncset.done $0x0  }
0xc2: {  	[sflag:s30] =	ssyncadd.s32 $0xFFFF8000  }
0xc3: {  	p0 =	sne.s32 s20, $0x1;
	_ =	swait.ge [sflag:s31], $0x8000  }
.Ltmp0:
0xc4: {  	[sflag:s31] =	ssyncset.done $0x0;
	(pc) =	sbr.rel @p0 .LBB2_1-.Ltmp0, $4  }
0xc5: {  	[sflag:s31] =	ssyncadd.s32 $0xFFFF8000  }
0xc6: {  	_ =	swait.ge [sflag:s28], $0x8000  }
0xc7: {  	[sflag:s28] =	ssyncset.done $0x0  }
0xc8: {  	s20 =	sadd.s32 $0xFFFFFFFF, s20;
	[sflag:s28] =	ssyncadd.s32 $0xFFFF8000  }
0xc9: {  	_ =	sfence.sel $0x180000  }
0xca: {  	[bflag:$0x0] =	sbarrier.arrive $0xFFFF  }
0xcb: {  	_ =	strace $0x90000047  }
0xcc: {  	[bflag:$0x2] =	sbarrier.arrive $0xFFFF  }
0xcd: {  	p0 =	sne.s32 s1, $0x0;
	s0 =	rddreg [dreg:$0x3]  }
0xce: {  	s0 =	sadd.s32 @!p0 $0x100000, s0  }
0xcf: {  	[sflag:s0] =	ssyncadd.tile.s32 @!p0 $0x1;
	_ =	shalt  }
.Lfunc_end2:
_tile_overlayer_lowered:
.L_overlay_start_2:
0xd0: {  	(tag) =	ssettag $0x2  }
0xd1: {  	s0 =	rddreg [dreg:$0x0];
	s2 =	stileid.u32  }
0xd2: {  	s1 =	rddreg [dreg:$0x1];
	p0 =	sne.s32 s2, $0x0  }
0xd3: {  	s3 =	rddreg [dreg:$0x2];
	[bflag:$0x3] =	sbarrier.arrive $0xFFFF;
	s2 =	simm.s32 @!p0 $0x1C07  }
0xd4: {  	[timem:s3], [sflag:s2] =	dma.local @!p0 [hbm:s0], s1  }
0xd5: {  	s0 =	simm.s32 @!p0 $0x7  }
0xd6: {  	_ =	swait.ge @!p0 [sflag:s0], s1  }
0xd7: {  	s1 =	ssub.s32 @!p0 $0x0, s1;
	[sflag:s0] =	ssyncset.done @!p0 $0x0  }
0xd8: {  	[sflag:s0] =	ssyncadd.s32 @!p0 s1  }
0xd9: {  	[bflag:$0x3] =	sbarrier.arrive $0xFFFF  }
0xda: {  	_ =	shalt  }

// kernel: kernel.8.cloned.1.call-start
scs
__scs_entry_jumppad:
0x0: {  	(pc) =	sbr.rel $0x88, $3  }
0x1: {  	(tag) =	ssettag $0x0;
	lr =	simm.s32 $0x1  }
0x2: {  	[smem:$0x3F9D] =	sst lr;
	_ =	strace $0xD0000000  }
0x3: {  	_ = 	snop  }
0x4: {  	_ = 	snop  }
0x5: {  	_ = 	snop  }
0x6: {  	_ = 	snop  }
0x7: {  	_ = 	snop  }
__scs_overlays_trampoline_lowered:
0x8: {  	[smem:$0x3FAC] =	sst s0  }
0x9: {  	[smem:$0x3FAD] =	sst s1  }
0xa: {  	[smem:$0x3FAE] =	sst s2  }
0xb: {  	[smem:$0x3FAF] =	sst s3  }
0xc: {  	[smem:$0x3FB0] =	sst s4  }
0xd: {  	[smem:$0x3FB1] =	sst s5  }
0xe: {  	[smem:$0x3FB2] =	sst s6  }
0xf: {  	[smem:$0x3FB3] =	sst s7  }
0x10: {  	[smem:$0x3FB4] =	sst s8  }
0x11: {  	[smem:$0x3FB5] =	sst s9;
	s0 =	simm.s32 @!p0 $0x0  }
0x12: {  	s1 =	sld [smem:$0x3F9B];
	s0 =	simm.s32 @p0 $0x1  }
0x13: {  	[smem:$0x3FB6] =	sst s0;
	s0 =	simm.s32 @!p1 $0x0  }
0x14: {  	s2 =	sld [smem:$0x3F9A];
	s0 =	simm.s32 @p1 $0x1  }
0x15: {  	[smem:$0x3FB7] =	sst s0;
	s0 =	simm.s32 @!p2 $0x0  }
0x16: {  	s3 =	sld [smem:$0x3FDB];
	s0 =	simm.s32 @p2 $0x1  }
0x17: {  	s4 =	simm.s32 $0x1BF5;
	[smem:$0x3FB9] =	sst s0  }
0x18: {  	s0 =	sld [smem:$0x3F9C];
	_ =	swait.ge [sflag:s4], $0x0  }
0x19: {  	s7 =	sld [smem:$0x3F9D]  }
0x1a: {  	s8 =	sadd.s32 $0xFFFFE003, lr  }
0x1b: {  	s9 =	sadd.s32 $0xFFFFFEF7, lr;
	s5 =	simm.s32 $0xFFFFFFFF;
	p2 =	slt.u32 s8, $0xFFFFF086  }
0x1c: {  	p1 =	slt.u32 s9, $0xF7A;
	s5 =	simm.s32 @!p2 $0x0  }
0x1d: {  	s5 =	simm.s32 @p1 $0x1;
	p0 =	seq.s32 s7, s2  }
0x1e: {  	s7 =	smul.u32 @!p0 $0xF7A, s2;
	p2 =	seq.s32 @!p0 s5, $0x0  }
0x1f: {  	s9 =	smul.u32 $0xF7A, s1;
	s8 =	simm.s32 @!p0 $0x1BF5;
	p2 =	por !p2, p0  }
0x20: {  	[sflag:s8] =	ssyncset.s32 @!p0 $0xFFFFF086;
	s6 =	sadd.s32 @!p0 s3, s7;
	s7 =	simm.s32 @!p0 $0x108  }
0x21: {  	s3 =	sadd.s32 s3, s9;
	s6 =	sadd.s32 @!p0 $0x88, s6;
	s7 =	simm.s32 @p2 $0x1082  }
0x22: {  	[simem:s7], [sflag:s8] =	dma.local @!p0 [hbm:s6], $0xF7A  }
0x23: {  	s9 =	sor.u32 $0xD0000000, s2;
	s6 =	simm.s32 $0x108;
	_ =	swait.ge @!p0 [sflag:s8], $0x0  }
0x24: {  	s3 =	sadd.s32 $0x88, s3;
	s6 =	simm.s32 @!p1 $0x1082;
	[sflag:s4] =	ssyncset.s32 $0xFFFFF086  }
0x25: {  	[simem:s6], [sflag:s4] =	dma.local [hbm:s3], $0xF7A  }
0x26: {  	[smem:$0x3F9D] =	sst s1;
	(tag) =	ssettag s2;
	_ =	strace s9  }
0x27: {  	s1 =	sld [smem:$0x3FAD]  }
0x28: {  	s2 =	sld [smem:$0x3FAE]  }
0x29: {  	s4 =	sld [smem:$0x3FB0]  }
0x2a: {  	p0 =	seq.s32 s5, $0x0;
	s5 =	sld [smem:$0x3FB1]  }
0x2b: {  	s6 =	sld [smem:$0x3FB2]  }
0x2c: {  	s7 =	sld [smem:$0x3FB3]  }
0x2d: {  	s3 =	simm.s32 $0x108;
	s8 =	sld [smem:$0x3FB4]  }
0x2e: {  	s3 =	simm.s32 @!p0 $0x1082;
	s9 =	sld [smem:$0x3FB5]  }
0x2f: {  	lr =	sadd.s32 s0, s3;
	s0 =	sld [smem:$0x3FAC]  }
0x30: {  	s3 =	sld [smem:$0x3FAF]  }
0x31: {  	[smem:$0x3FB8] =	sst s10  }
0x32: {  	s10 =	sld [smem:$0x3FB6];
	_ =	sdelay $0x3  }
0x33: {  	p0 =	seq.s32 s10, $0x1;
	s10 =	sld [smem:$0x3FB8];
	_ =	sdelay $0x3  }
0x34: {  	[smem:$0x3FB8] =	sst s10  }
0x35: {  	s10 =	sld [smem:$0x3FB7];
	_ =	sdelay $0x3  }
0x36: {  	p1 =	seq.s32 s10, $0x1;
	s10 =	sld [smem:$0x3FB8];
	_ =	sdelay $0x3  }
0x37: {  	[smem:$0x3FB8] =	sst s10  }
0x38: {  	s10 =	sld [smem:$0x3FB9]  }
0x39: {  	_ = 	snop;
	(pc) =	sbr.ind lr, $3  }
0x3a: {  	_ = 	snop  }
0x3b: {  	_ = 	snop  }
0x3c: {  	p2 =	seq.s32 s10, $0x1;
	s10 =	sld [smem:$0x3FB8]  }
0x3d: {  	_ =	shalt  }
0x3e: {  	_ =	shalt  }
0x3f: {  	_ =	shalt  }
0x40: {  	_ =	shalt  }
0x41: {  	_ =	shalt  }
0x42: {  	_ =	shalt  }
0x43: {  	_ =	shalt  }
0x44: {  	_ =	shalt  }
0x45: {  	_ =	shalt  }
0x46: {  	_ =	shalt  }
0x47: {  	_ =	shalt  }
0x48: {  	_ =	shalt  }
0x49: {  	_ =	shalt  }
0x4a: {  	_ =	shalt  }
0x4b: {  	_ =	shalt  }
0x4c: {  	_ =	shalt  }
0x4d: {  	_ =	shalt  }
0x4e: {  	_ =	shalt  }
0x4f: {  	_ =	shalt  }
0x50: {  	_ =	shalt  }
0x51: {  	_ =	shalt  }
0x52: {  	_ =	shalt  }
0x53: {  	_ =	shalt  }
0x54: {  	_ =	shalt  }
0x55: {  	_ =	shalt  }
0x56: {  	_ =	shalt  }
0x57: {  	_ =	shalt  }
0x58: {  	_ =	shalt  }
0x59: {  	_ =	shalt  }
0x5a: {  	_ =	shalt  }
0x5b: {  	_ =	shalt  }
0x5c: {  	_ =	shalt  }
0x5d: {  	_ =	shalt  }
0x5e: {  	_ =	shalt  }
0x5f: {  	_ =	shalt  }
0x60: {  	_ =	shalt  }
0x61: {  	_ =	shalt  }
0x62: {  	_ =	shalt  }
0x63: {  	_ =	shalt  }
0x64: {  	_ =	shalt  }
0x65: {  	_ =	shalt  }
0x66: {  	_ =	shalt  }
0x67: {  	_ =	shalt  }
0x68: {  	_ =	shalt  }
0x69: {  	_ =	shalt  }
0x6a: {  	_ =	shalt  }
0x6b: {  	_ =	shalt  }
0x6c: {  	_ =	shalt  }
0x6d: {  	_ =	shalt  }
0x6e: {  	_ =	shalt  }
0x6f: {  	_ =	shalt  }
0x70: {  	_ =	shalt  }
0x71: {  	_ =	shalt  }
0x72: {  	_ =	shalt  }
0x73: {  	_ =	shalt  }
0x74: {  	_ =	shalt  }
0x75: {  	_ =	shalt  }
0x76: {  	_ =	shalt  }
0x77: {  	_ =	shalt  }
0x78: {  	_ =	shalt  }
0x79: {  	_ =	shalt  }
0x7a: {  	_ =	shalt  }
0x7b: {  	_ =	shalt  }
0x7c: {  	_ =	shalt  }
0x7d: {  	_ =	shalt  }
0x7e: {  	_ =	shalt  }
0x7f: {  	_ =	shalt  }
0x80: {  	_ =	shalt  }
0x81: {  	_ =	shalt  }
0x82: {  	_ =	shalt  }
0x83: {  	_ =	shalt  }
0x84: {  	_ =	shalt  }
0x85: {  	_ =	shalt  }
0x86: {  	_ =	shalt  }
0x87: {  	_ =	shalt  }
.Lfunc_end0:
.L_simem_size_0:
called_computation.1_lowered:
.L_overlay_start_0:
0x88: {  	s2 =	sld [smem:$0x3FD9]  }
0x89: {  	s3 =	sld [smem:$0x3FFE];
	_ =	sdelay $0x1  }
0x8a: {  	s1 =	srdreg.scid  }
0x8b: {  	s0 =	sand.u32 $0x1, s1  }
0x8c: {  	s17 =	sshll.u32 s0, $0xA;
	s2 =	sadd.s32 s3, s2  }
0x8d: {  	s2 =	sadd.s32 s2, s17  }
0x8e: {  	[smem:$0x3FC4] =	sst s2  }
0x8f: {  	_ = 	snop  }
0x90: {  	s2 =	sld [smem:$0x3FD0];
	(tm) =	ssettm $0x1  }
0x91: {  	s18 =	sld [smem:$0x3FFB];
	_ =	sdelay $0x3  }
0x92: {  	_ =	strace s18  }
0x93: {  	s3 =	sld [smem:$0x3FFC];
	_ =	sdelay $0x3  }
0x94: {  	_ =	strace s3  }
0x95: {  	s3 =	sld [smem:$0x3FFD];
	_ =	sdelay $0x3  }
0x96: {  	_ =	strace s3  }
0x97: {  	_ =	strace $0x8FFFFFFF  }
0x98: {  	s19 =	sld [smem:$0x3FDB];
	_ =	sdelay $0x1  }
0x99: {  	s4 =	simm.s32 $_scs_section_size  }
0x9a: {  	s5 =	simm.s32 $_size__tile_overlayer_lowered;
	s6 =	simm.s32 $_tile_overlayer_lowered  }
0x9b: {  	s22 =	simm.s32 $0x1BFF;
	s21 =	sshll.u32 s6, $0x1;
	s3 =	sadd.s32 s4, s19  }
0x9c: {  	s7 =	simm.s32 $0x0;
	s20 =	sshll.u32 s5, $0x1;
	s5 =	sadd.s32 s21, s3  }
0x9d: {  	[timem:s7], [sflag:s22] =	dma.local [hbm:s5], s20  }
0x9e: {  	_ =	swait.ge [sflag:s22], s20  }
0x9f: {  	s4 =	ssub.s32 $0x0, s20;
	[sflag:s22] =	ssyncset.done $0x0  }
0xa0: {  	[sflag:s22] =	ssyncadd.s32 s4;
	_ =	sdelay $0x1  }
0xa1: {  	s23 =	simm.s32 $0x1B8B  }
0xa2: {  	_ =	swait.ge [sflag:s23], $0x1  }
0xa3: {  	[sflag:s23] =	ssyncset.done $0x0  }
0xa4: {  	s25 =	simm.s32 $0x1B8E;
	s24 =	sld [smem:$0x3FFE];
	[sflag:s23] =	ssyncadd.s32 $0xFFFFFFFF  }
0xa5: {  	s26 =	simm.s32 $execute0_lowered;
	[smem:$0x3FD2] =	sst s25  }
0xa6: {  	s5 =	sshll.u32 s26, $0x1;
	_ =	strace $0x80000049;
	[dreg:$0x1] =	wrdreg $0xFFFFFFFF  }
0xa7: {  	s28 =	simm.s32 $_size_execute0_lowered;
	s3 =	sadd.s32 s3, s5;
	[dreg:$0x0] =	wrdreg $0x0  }
0xa8: {  	s5 =	sshll.u32 s28, $0x1;
	[dreg:$0x2] =	wrdreg s3  }
0xa9: {  	[dreg:$0x3] =	wrdreg s5  }
0xaa: {  	[dreg:$0x4] =	wrdreg $0xC0  }
0xab: {  	_ =	task [dreg:s7], $0x5FFFF  }
0xac: {  	[dreg:$0x1] =	wrdreg $0xFFFFFFFF  }
0xad: {  	[dreg:$0x0] =	wrdreg $0x60  }
0xae: {  	[dreg:$0x2] =	wrdreg s24  }
0xaf: {  	[dreg:$0x3] =	wrdreg s2  }
0xb0: {  	[dreg:$0x4] =	wrdreg $0x9  }
0xb1: {  	_ =	task.clear_ibuf [dreg:s7], $0x5FFFF;
	_ =	strace $0x90000049  }
0xb2: {  	s29 =	simm.s32 $0x9;
	_ =	strace $0x8000004B  }
0xb3: {  	_ =	swait.ge [sflag:s29], $0x1  }
0xb4: {  	[sflag:s29] =	ssyncadd.s32 $0xFFFFFFFF  }
0xb5: {  	_ =	strace $0x9000004B  }
0xb6: {  	_ =	sfence  }
0xb7: {  	s30 =	sld [smem:$0x0];
	_ =	sdelay $0x2  }
0xb8: {  	s31 =	sshll.u32 s1, $0xD;
	s1 =	sshrl.u32 s1, $0x2  }
0xb9: {  	s3 =	sand.u32 $0x4000, s31;
	s1 =	sadd.s32 s1, s30  }
0xba: {  	s0 =	sor.u32 s3, s0;
	s1 =	sshll.u32 s1, $0x11  }
0xbb: {  	s0 =	sor.u32 s1, s0  }
0xbc: {  	s0 =	sadd.s32 $0x8F2B, s0  }
0xbd: {  	[sflag:s0] =	ssyncadd.remote.s32 $0x1  }
0xbe: {  	_ =	sfence.sel $0xFFFF  }
0xbf: {  	[dreg:$0x0] =	wrdreg $0xFFFFFFFF;
	(pc) =	sbr.abs _section_cstart, $3  }
0xc0: {  	[dreg:$0x1] =	wrdreg $0xFFFFFFFF  }
0xc1: {  	_ =	task.clear_ibuf [dreg:s7], $0x2FFFF;
	_ =	strace $0x9FFFFFFF  }
0xc2: {  	(tm) =	ssettm $0x7FFFFFFF  }
0xc3: {  	_ =	shalt  }
tec
execute0_lowered:
.L_overlay_start_1:
0x0: {  	(tag) =	ssettag $0x1  }
0x1: {  	s0 =	srdreg.scid;
	s1 =	rddreg [dreg:$0x0]  }
0x2: {  	s2 =	stileid.u32;
	s4 =	rddreg [dreg:$0x1]  }
0x3: {  	s18 =	simm.s32 $0x1;
	s31 =	simm.s32 $0x3;
	s9 =	simm.s32 $0x11100  }
0x4: {  	s10 =	simm.s32 $0x11900;
	s11 =	simm.s32 $0x12100;
	s12 =	simm.s32 $0x12900  }
0x5: {  	s13 =	simm.s32 $0x13100;
	s14 =	simm.s32 $0x13900;
	s15 =	simm.s32 $0x14100  }
0x6: {  	s16 =	simm.s32 $0x14900;
	s17 =	simm.s32 $0x15100;
	s19 =	simm.s32 $0x15900  }
0x7: {  	s28 =	simm.s32 $0x16900;
	s29 =	simm.s32 $0x17100;
	s0 =	sand.u32 $0x1, s0  }
0x8: {  	s30 =	simm.s32 $0x17900;
	s2 =	sshll.u32 s2, $0x9;
	s3 =	sshll.u32 s0, $0x8  }
0x9: {  	s6 =	sadd.s32 $0x280800, s1;
	s7 =	sadd.s32 $0x280900, s1;
	s3 =	sor.u32 s3, s2  }
0xa: {  	s2 =	simm.s32 $0x0;
	s5 =	sshrl.u32 s3, $0x3;
	s3 =	sshll.u32 s3, $0x7  }
0xb: {  	[smem:$0x7FF] =	sst s2;
	s5 =	sadd.s32 s5, s1;
	s8 =	sadd.s32 s4, s3  }
0xc: {  	_ =	strace $0x8000004A;
	s5 =	sadd.s32 $0x200, s5;
	[dreg:$0xb] =	wrdreg s8  }
0xd: {  	s0 =	ssub.s32 $0x2, s0;
	s3 =	sadd.s32 $0x1000, s8;
	[dreg:$0x3] =	wrdreg s5  }
0xe: {  	s21 =	sshrl.u32 s0, $0x1;
	s20 =	sadd.s32 $0x2000, s8;
	[dreg:$0x4] =	wrdreg s3  }
0xf: {  	s0 =	ssub.s32 s0, s21;
	s22 =	sadd.s32 $0x3000, s8;
	[dreg:$0x5] =	wrdreg s20  }
0x10: {  	s21 =	simm.s32 $0x4;
	s23 =	sadd.s32 $0x4000, s8;
	[dreg:$0x6] =	wrdreg s22  }
0x11: {  	s4 =	sadd.s32 $0x280600, s1;
	s24 =	sadd.s32 $0x5000, s8;
	[dreg:$0x7] =	wrdreg s23  }
0x12: {  	s25 =	sadd.s32 $0x6000, s8;
	s26 =	sadd.s32 $0x7000, s8;
	[dreg:$0x8] =	wrdreg s24  }
0x13: {  	v2 =	vlaneseq.u32;
	s8 =	smax.u32 s0, $0x1;
	s5 =	sadd.s32 $0x280700, s1;
	[dreg:$0x9] =	wrdreg s25  }
0x14: {  	vm0 =	vmmov $0xffff;
	v1 =	vshrl.u32 v2, $0x3;
	[dreg:$0xa] =	wrdreg s26;
	s20 =	simm.s32 $0x2;
	s23 =	simm.s32 $0x5  }
0x15: {  	v0 =	vand.u32 $0x7, v2;
	v2 =	vor.u32 $0x8, v2;
	v1 =	vmul.u32 $0x8, v1;
	s24 =	simm.s32 $0x6;
	s26 =	simm.s32 $0x100;
	s22 =	simm.s32 $0x16100  }
.LBB2_1:
0x16: {  	s25 =	rddreg [dreg:$0x3];
	s3 =	simm.s32 $0x7  }
0x17: {  	[tilespmem:s2], [sflag:$0x7] =	stream.linear.gather [hbm4b:s25+s2], $0x100, $0x38;
	[tilespmem:$0x18100] =	vst v63  }
0x18: {  	_ =	swait.ge [sflag:s3], $0x100  }
0x19: {  	[sflag:s3] =	ssyncset.done $0x0  }
0x1a: {  	[sflag:s3] =	ssyncadd.s32 $0xFFFFFF00  }
0x1b: {  	v3 =	vld [tilespmem:$0x0];
	_ =	sdelay $0x4  }
0x1c: {  	v4 =	vshll.u32 v3, $0x3  }
0x1d: {  	v3 =	vand.u32 $0x7, v3;
	v4 =	vand.u32 $0xFFFFFFC0, v4  }
0x1e: {  	v3 =	vor.u32 v3, v4  }
0x1f: {  	v4 =	vperm.xlane v3, v0;
	_ =	sdelay $0x1  }
0x20: {  	v4 =	vadd.s32 v1, v4;
	_ =	sdelay $0x4  }
0x21: {  	[tilespmem:s26], [sflag:$0x1] =	stream.indirect_vreg.gather [hbm4b:s4+s2], $0x80, v4, vm0, $0xb8;
	[tilespmem:$0x18100] =	vst v63  }
0x22: {  	s0 =	simm.s32 $0x900;
	v3 =	vperm.xlane v3, v2  }
0x23: {  	[tilespmem:s0], [sflag:$0x1] =	stream.indirect_vreg.gather [hbm4b:s5+s2], $0x80, v4, vm0, $0xb8;
	[tilespmem:$0x18100] =	vst v63  }
0x24: {  	s25 =	simm.s32 $0x1100;
	v3 =	vadd.s32 v1, v3  }
0x25: {  	[tilespmem:s25], [sflag:$0x1] =	stream.indirect_vreg.gather [hbm4b:s6+s2], $0x80, v4, vm0, $0xb8;
	[tilespmem:$0x18100] =	vst v63  }
0x26: {  	s1 =	simm.s32 $0x1900  }
0x27: {  	[tilespmem:s1], [sflag:$0x1] =	stream.indirect_vreg.gather [hbm4b:s7+s2], $0x80, v4, vm0, $0xb8;
	[tilespmem:$0x18100] =	vst v63  }
0x28: {  	s3 =	simm.s32 $0x2100  }
0x29: {  	[tilespmem:s3], [sflag:$0x1] =	stream.indirect_vreg.gather [hbm4b:s4+s2], $0x80, v3, vm0, $0xb8;
	[tilespmem:$0x18100] =	vst v63  }
0x2a: {  	s25 =	simm.s32 $0x2900  }
0x2b: {  	[tilespmem:s25], [sflag:$0x1] =	stream.indirect_vreg.gather [hbm4b:s5+s2], $0x80, v3, vm0, $0xb8;
	[tilespmem:$0x18100] =	vst v63  }
0x2c: {  	s1 =	simm.s32 $0x3100  }
0x2d: {  	[tilespmem:s1], [sflag:$0x1] =	stream.indirect_vreg.gather [hbm4b:s6+s2], $0x80, v3, vm0, $0xb8;
	[tilespmem:$0x18100] =	vst v63  }
0x2e: {  	s3 =	simm.s32 $0x3900  }
0x2f: {  	[tilespmem:s3], [sflag:$0x1] =	stream.indirect_vreg.gather [hbm4b:s7+s2], $0x80, v3, vm0, $0xb8;
	[tilespmem:$0x18100] =	vst v63  }
0x30: {  	v3 =	vld [tilespmem:$0x10];
	_ =	sdelay $0x4  }
0x31: {  	v49 =	vshll.u32 v3, $0x3  }
0x32: {  	v3 =	vand.u32 $0x7, v3;
	v4 =	vand.u32 $0xFFFFFFC0, v49  }
0x33: {  	v3 =	vor.u32 v3, v4  }
0x34: {  	v4 =	vperm.xlane v3, v0;
	_ =	sdelay $0x1  }
0x35: {  	v4 =	vadd.s32 v1, v4;
	_ =	sdelay $0x3  }
0x36: {  	s25 =	simm.s32 $0x4100  }
0x37: {  	[tilespmem:s25], [sflag:$0x1] =	stream.indirect_vreg.gather [hbm4b:s4+s2], $0x80, v4, vm0, $0xb8;
	[tilespmem:$0x18100] =	vst v63  }
0x38: {  	s1 =	simm.s32 $0x4900;
	v3 =	vperm.xlane v3, v2  }
0x39: {  	[tilespmem:s1], [sflag:$0x1] =	stream.indirect_vreg.gather [hbm4b:s5+s2], $0x80, v4, vm0, $0xb8;
	[tilespmem:$0x18100] =	vst v63  }
0x3a: {  	s3 =	simm.s32 $0x5100;
	v3 =	vadd.s32 v1, v3  }
0x3b: {  	[tilespmem:s3], [sflag:$0x1] =	stream.indirect_vreg.gather [hbm4b:s6+s2], $0x80, v4, vm0, $0xb8;
	[tilespmem:$0x18100] =	vst v63  }
0x3c: {  	s25 =	simm.s32 $0x5900  }
0x3d: {  	[tilespmem:s25], [sflag:$0x1] =	stream.indirect_vreg.gather [hbm4b:s7+s2], $0x80, v4, vm0, $0xb8;
	[tilespmem:$0x18100] =	vst v63  }
0x3e: {  	s1 =	simm.s32 $0x6100  }
0x3f: {  	[tilespmem:s1], [sflag:$0x1] =	stream.indirect_vreg.gather [hbm4b:s4+s2], $0x80, v3, vm0, $0xb8;
	[tilespmem:$0x18100] =	vst v63  }
0x40: {  	s3 =	simm.s32 $0x6900  }
0x41: {  	[tilespmem:s3], [sflag:$0x1] =	stream.indirect_vreg.gather [hbm4b:s5+s2], $0x80, v3, vm0, $0xb8;
	[tilespmem:$0x18100] =	vst v63  }
0x42: {  	s25 =	simm.s32 $0x7100  }
0x43: {  	[tilespmem:s25], [sflag:$0x1] =	stream.indirect_vreg.gather [hbm4b:s6+s2], $0x80, v3, vm0, $0xb8;
	[tilespmem:$0x18100] =	vst v63  }
0x44: {  	s1 =	simm.s32 $0x7900  }
0x45: {  	[tilespmem:s1], [sflag:$0x1] =	stream.indirect_vreg.gather [hbm4b:s7+s2], $0x80, v3, vm0, $0xb8;
	[tilespmem:$0x18100] =	vst v63  }
0x46: {  	v3 =	vld [tilespmem:$0x20];
	_ =	sdelay $0x4  }
0x47: {  	v50 =	vshll.u32 v3, $0x3  }
0x48: {  	v3 =	vand.u32 $0x7, v3;
	v4 =	vand.u32 $0xFFFFFFC0, v50  }
0x49: {  	v3 =	vor.u32 v3, v4  }
0x4a: {  	v4 =	vperm.xlane v3, v0;
	_ =	sdelay $0x1  }
0x4b: {  	v4 =	vadd.s32 v1, v4;
	_ =	sdelay $0x3  }
0x4c: {  	s0 =	simm.s32 $0x8100  }
0x4d: {  	[tilespmem:s0], [sflag:$0x2] =	stream.indirect_vreg.gather [hbm4b:s4+s2], $0x80, v4, vm0, $0xb8;
	[tilespmem:$0x18100] =	vst v63  }
0x4e: {  	s1 =	simm.s32 $0x8900;
	v3 =	vperm.xlane v3, v2  }
0x4f: {  	[tilespmem:s1], [sflag:$0x2] =	stream.indirect_vreg.gather [hbm4b:s5+s2], $0x80, v4, vm0, $0xb8;
	[tilespmem:$0x18100] =	vst v63  }
0x50: {  	s3 =	simm.s32 $0x9100;
	v3 =	vadd.s32 v1, v3  }
0x51: {  	[tilespmem:s3], [sflag:$0x2] =	stream.indirect_vreg.gather [hbm4b:s6+s2], $0x80, v4, vm0, $0xb8;
	[tilespmem:$0x18100] =	vst v63  }
0x52: {  	s25 =	simm.s32 $0x9900  }
0x53: {  	[tilespmem:s25], [sflag:$0x2] =	stream.indirect_vreg.gather [hbm4b:s7+s2], $0x80, v4, vm0, $0xb8;
	[tilespmem:$0x18100] =	vst v63  }
0x54: {  	s3 =	simm.s32 $0xA100  }
0x55: {  	[tilespmem:s3], [sflag:$0x2] =	stream.indirect_vreg.gather [hbm4b:s4+s2], $0x80, v3, vm0, $0xb8;
	[tilespmem:$0x18100] =	vst v63  }
0x56: {  	s25 =	simm.s32 $0xA900  }
0x57: {  	[tilespmem:s25], [sflag:$0x2] =	stream.indirect_vreg.gather [hbm4b:s5+s2], $0x80, v3, vm0, $0xb8;
	[tilespmem:$0x18100] =	vst v63  }
0x58: {  	s3 =	simm.s32 $0xB100  }
0x59: {  	[tilespmem:s3], [sflag:$0x2] =	stream.indirect_vreg.gather [hbm4b:s6+s2], $0x80, v3, vm0, $0xb8;
	[tilespmem:$0x18100] =	vst v63  }
0x5a: {  	s25 =	simm.s32 $0xB900  }
0x5b: {  	[tilespmem:s25], [sflag:$0x2] =	stream.indirect_vreg.gather [hbm4b:s7+s2], $0x80, v3, vm0, $0xb8;
	[tilespmem:$0x18100] =	vst v63  }
0x5c: {  	v3 =	vld [tilespmem:$0x30];
	_ =	sdelay $0x4  }
0x5d: {  	v51 =	vshll.u32 v3, $0x3  }
0x5e: {  	v3 =	vand.u32 $0x7, v3;
	v4 =	vand.u32 $0xFFFFFFC0, v51  }
0x5f: {  	v3 =	vor.u32 v3, v4  }
0x60: {  	v4 =	vperm.xlane v3, v0;
	_ =	sdelay $0x1  }
0x61: {  	v4 =	vadd.s32 v1, v4;
	_ =	sdelay $0x3  }
0x62: {  	s3 =	simm.s32 $0xC100  }
0x63: {  	[tilespmem:s3], [sflag:$0x2] =	stream.indirect_vreg.gather [hbm4b:s4+s2], $0x80, v4, vm0, $0xb8;
	[tilespmem:$0x18100] =	vst v63  }
0x64: {  	s25 =	simm.s32 $0xC900;
	v3 =	vperm.xlane v3, v2  }
0x65: {  	[tilespmem:s25], [sflag:$0x2] =	stream.indirect_vreg.gather [hbm4b:s5+s2], $0x80, v4, vm0, $0xb8;
	[tilespmem:$0x18100] =	vst v63  }
0x66: {  	v3 =	vadd.s32 v1, v3;
	s3 =	simm.s32 $0xD100  }
0x67: {  	[tilespmem:s3], [sflag:$0x2] =	stream.indirect_vreg.gather [hbm4b:s6+s2], $0x80, v4, vm0, $0xb8;
	[tilespmem:$0x18100] =	vst v63  }
0x68: {  	s25 =	simm.s32 $0xD900  }
0x69: {  	[tilespmem:s25], [sflag:$0x2] =	stream.indirect_vreg.gather [hbm4b:s7+s2], $0x80, v4, vm0, $0xb8;
	[tilespmem:$0x18100] =	vst v63  }
0x6a: {  	s3 =	simm.s32 $0xE100  }
0x6b: {  	[tilespmem:s3], [sflag:$0x2] =	stream.indirect_vreg.gather [hbm4b:s4+s2], $0x80, v3, vm0, $0xb8;
	[tilespmem:$0x18100] =	vst v63  }
0x6c: {  	s25 =	simm.s32 $0xE900  }
0x6d: {  	[tilespmem:s25], [sflag:$0x2] =	stream.indirect_vreg.gather [hbm4b:s5+s2], $0x80, v3, vm0, $0xb8;
	[tilespmem:$0x18100] =	vst v63  }
0x6e: {  	s3 =	simm.s32 $0xF100  }
0x6f: {  	[tilespmem:s3], [sflag:$0x2] =	stream.indirect_vreg.gather [hbm4b:s6+s2], $0x80, v3, vm0, $0xb8;
	[tilespmem:$0x18100] =	vst v63  }
0x70: {  	s25 =	simm.s32 $0xF900  }
0x71: {  	[tilespmem:s25], [sflag:$0x2] =	stream.indirect_vreg.gather [hbm4b:s7+s2], $0x80, v3, vm0, $0xb8;
	[tilespmem:$0x18100] =	vst v63  }
0x72: {  	_ =	swait.ge [sflag:s18], $0x8000  }
0x73: {  	[sflag:s18] =	ssyncset.done $0x0  }
0x74: {  	s1 =	rddreg [dreg:$0xb];
	[sflag:s18] =	ssyncadd.s32 $0xFFFF8000  }
0x75: {  	[hbm4b:s1+s2] =	stream.linear.scatter [tilespmem:s26], [sflag:$0x4], $0x8000, $0x38;
	[tilespmem:$0x18100] =	vst v63  }
0x76: {  	v3 =	vld [tilespmem:$0x40];
	_ =	sdelay $0x4  }
0x77: {  	v52 =	vshll.u32 v3, $0x3  }
0x78: {  	v3 =	vand.u32 $0x7, v3;
	v4 =	vand.u32 $0xFFFFFFC0, v52  }
0x79: {  	v3 =	vor.u32 v3, v4  }
0x7a: {  	v4 =	vperm.xlane v3, v0;
	_ =	sdelay $0x1  }
0x7b: {  	v4 =	vadd.s32 v1, v4;
	_ =	sdelay $0x3  }
0x7c: {  	s1 =	simm.s32 $0x10100  }
0x7d: {  	[tilespmem:s1], [sflag:$0x3] =	stream.indirect_vreg.gather [hbm4b:s4+s2], $0x80, v4, vm0, $0xb8;
	[tilespmem:$0x18100] =	vst v63  }
0x7e: {  	s3 =	simm.s32 $0x10900;
	v3 =	vperm.xlane v3, v2  }
0x7f: {  	[tilespmem:s3], [sflag:$0x3] =	stream.indirect_vreg.gather [hbm4b:s5+s2], $0x80, v4, vm0, $0xb8;
	[tilespmem:$0x18100] =	vst v63  }
0x80: {  	v3 =	vadd.s32 v1, v3  }
0x81: {  	[tilespmem:s9], [sflag:$0x3] =	stream.indirect_vreg.gather [hbm4b:s6+s2], $0x80, v4, vm0, $0xb8;
	[tilespmem:$0x18100] =	vst v63  }
0x82: {  	_ = 	snop  }
0x83: {  	[tilespmem:s10], [sflag:$0x3] =	stream.indirect_vreg.gather [hbm4b:s7+s2], $0x80, v4, vm0, $0xb8;
	[tilespmem:$0x18100] =	vst v63  }
0x84: {  	_ = 	snop  }
0x85: {  	[tilespmem:s11], [sflag:$0x3] =	stream.indirect_vreg.gather [hbm4b:s4+s2], $0x80, v3, vm0, $0xb8;
	[tilespmem:$0x18100] =	vst v63  }
0x86: {  	_ = 	snop  }
0x87: {  	[tilespmem:s12], [sflag:$0x3] =	stream.indirect_vreg.gather [hbm4b:s5+s2], $0x80, v3, vm0, $0xb8;
	[tilespmem:$0x18100] =	vst v63  }
0x88: {  	_ = 	snop  }
0x89: {  	[tilespmem:s13], [sflag:$0x3] =	stream.indirect_vreg.gather [hbm4b:s6+s2], $0x80, v3, vm0, $0xb8;
	[tilespmem:$0x18100] =	vst v63  }
0x8a: {  	_ = 	snop  }
0x8b: {  	[tilespmem:s14], [sflag:$0x3] =	stream.indirect_vreg.gather [hbm4b:s7+s2], $0x80, v3, vm0, $0xb8;
	[tilespmem:$0x18100] =	vst v63  }
0x8c: {  	v3 =	vld [tilespmem:$0x50];
	_ =	sdelay $0x4  }
0x8d: {  	v53 =	vshll.u32 v3, $0x3  }
0x8e: {  	v3 =	vand.u32 $0x7, v3;
	v4 =	vand.u32 $0xFFFFFFC0, v53  }
0x8f: {  	v3 =	vor.u32 v3, v4  }
0x90: {  	v4 =	vperm.xlane v3, v0;
	_ =	sdelay $0x1  }
0x91: {  	v4 =	vadd.s32 v1, v4;
	_ =	sdelay $0x4  }
0x92: {  	[tilespmem:s15], [sflag:$0x3] =	stream.indirect_vreg.gather [hbm4b:s4+s2], $0x80, v4, vm0, $0xb8;
	[tilespmem:$0x18100] =	vst v63  }
0x93: {  	v3 =	vperm.xlane v3, v2  }
0x94: {  	[tilespmem:s16], [sflag:$0x3] =	stream.indirect_vreg.gather [hbm4b:s5+s2], $0x80, v4, vm0, $0xb8;
	[tilespmem:$0x18100] =	vst v63  }
0x95: {  	v3 =	vadd.s32 v1, v3  }
0x96: {  	[tilespmem:s17], [sflag:$0x3] =	stream.indirect_vreg.gather [hbm4b:s6+s2], $0x80, v4, vm0, $0xb8;
	[tilespmem:$0x18100] =	vst v63  }
0x97: {  	_ = 	snop  }
0x98: {  	[tilespmem:s19], [sflag:$0x3] =	stream.indirect_vreg.gather [hbm4b:s7+s2], $0x80, v4, vm0, $0xb8;
	[tilespmem:$0x18100] =	vst v63  }
0x99: {  	_ = 	snop  }
0x9a: {  	[tilespmem:s22], [sflag:$0x3] =	stream.indirect_vreg.gather [hbm4b:s4+s2], $0x80, v3, vm0, $0xb8;
	[tilespmem:$0x18100] =	vst v63  }
0x9b: {  	_ = 	snop  }
0x9c: {  	[tilespmem:s28], [sflag:$0x3] =	stream.indirect_vreg.gather [hbm4b:s5+s2], $0x80, v3, vm0, $0xb8;
	[tilespmem:$0x18100] =	vst v63  }
0x9d: {  	_ = 	snop  }
0x9e: {  	[tilespmem:s29], [sflag:$0x3] =	stream.indirect_vreg.gather [hbm4b:s6+s2], $0x80, v3, vm0, $0xb8;
	[tilespmem:$0x18100] =	vst v63  }
0x9f: {  	_ = 	snop  }
0xa0: {  	[tilespmem:s30], [sflag:$0x3] =	stream.indirect_vreg.gather [hbm4b:s7+s2], $0x80, v3, vm0, $0xb8;
	[tilespmem:$0x18100] =	vst v63  }
0xa1: {  	_ =	swait.ge [sflag:s20], $0x8000  }
0xa2: {  	[sflag:s20] =	ssyncset.done $0x0  }
0xa3: {  	s25 =	rddreg [dreg:$0x4];
	[sflag:s20] =	ssyncadd.s32 $0xFFFF8000  }
0xa4: {  	[hbm4b:s25+s2] =	stream.linear.scatter [tilespmem:s0], [sflag:$0x5], $0x8000, $0x38;
	[tilespmem:$0x18100] =	vst v63  }
0xa5: {  	_ =	swait.ge [sflag:s21], $0x8000  }
0xa6: {  	[sflag:s21] =	ssyncset.done $0x0  }
0xa7: {  	[sflag:s21] =	ssyncadd.s32 $0xFFFF8000  }
0xa8: {  	v3 =	vld [tilespmem:$0x60];
	_ =	sdelay $0x4  }
0xa9: {  	v54 =	vshll.u32 v3, $0x3  }
0xaa: {  	v3 =	vand.u32 $0x7, v3;
	v4 =	vand.u32 $0xFFFFFFC0, v54  }
0xab: {  	v3 =	vor.u32 v3, v4  }
0xac: {  	v4 =	vperm.xlane v3, v0;
	_ =	sdelay $0x1  }
0xad: {  	v4 =	vadd.s32 v1, v4;
	_ =	sdelay $0x4  }
0xae: {  	[tilespmem:s26], [sflag:$0x1] =	stream.indirect_vreg.gather [hbm4b:s4+s2], $0x80, v4, vm0, $0xb8;
	[tilespmem:$0x18100] =	vst v63  }
0xaf: {  	s25 =	simm.s32 $0x900;
	v3 =	vperm.xlane v3, v2  }
0xb0: {  	[tilespmem:s25], [sflag:$0x1] =	stream.indirect_vreg.gather [hbm4b:s5+s2], $0x80, v4, vm0, $0xb8;
	[tilespmem:$0x18100] =	vst v63  }
0xb1: {  	v3 =	vadd.s32 v1, v3;
	s25 =	simm.s32 $0x1100  }
0xb2: {  	[tilespmem:s25], [sflag:$0x1] =	stream.indirect_vreg.gather [hbm4b:s6+s2], $0x80, v4, vm0, $0xb8;
	[tilespmem:$0x18100] =	vst v63  }
0xb3: {  	s25 =	simm.s32 $0x1900  }
0xb4: {  	[tilespmem:s25], [sflag:$0x1] =	stream.indirect_vreg.gather [hbm4b:s7+s2], $0x80, v4, vm0, $0xb8;
	[tilespmem:$0x18100] =	vst v63  }
0xb5: {  	s25 =	simm.s32 $0x2100  }
0xb6: {  	[tilespmem:s25], [sflag:$0x1] =	stream.indirect_vreg.gather [hbm4b:s4+s2], $0x80, v3, vm0, $0xb8;
	[tilespmem:$0x18100] =	vst v63  }
0xb7: {  	s25 =	simm.s32 $0x2900  }
0xb8: {  	[tilespmem:s25], [sflag:$0x1] =	stream.indirect_vreg.gather [hbm4b:s5+s2], $0x80, v3, vm0, $0xb8;
	[tilespmem:$0x18100] =	vst v63  }
0xb9: {  	s25 =	simm.s32 $0x3100  }
0xba: {  	[tilespmem:s25], [sflag:$0x1] =	stream.indirect_vreg.gather [hbm4b:s6+s2], $0x80, v3, vm0, $0xb8;
	[tilespmem:$0x18100] =	vst v63  }
0xbb: {  	s25 =	simm.s32 $0x3900  }
0xbc: {  	[tilespmem:s25], [sflag:$0x1] =	stream.indirect_vreg.gather [hbm4b:s7+s2], $0x80, v3, vm0, $0xb8;
	[tilespmem:$0x18100] =	vst v63  }
0xbd: {  	v3 =	vld [tilespmem:$0x70];
	_ =	sdelay $0x4  }
0xbe: {  	v55 =	vshll.u32 v3, $0x3  }
0xbf: {  	v3 =	vand.u32 $0x7, v3;
	v4 =	vand.u32 $0xFFFFFFC0, v55  }
0xc0: {  	v3 =	vor.u32 v3, v4  }
0xc1: {  	v4 =	vperm.xlane v3, v0;
	_ =	sdelay $0x1  }
0xc2: {  	v4 =	vadd.s32 v1, v4;
	_ =	sdelay $0x3  }
0xc3: {  	s25 =	simm.s32 $0x4100  }
0xc4: {  	[tilespmem:s25], [sflag:$0x1] =	stream.indirect_vreg.gather [hbm4b:s4+s2], $0x80, v4, vm0, $0xb8;
	[tilespmem:$0x18100] =	vst v63  }
0xc5: {  	v3 =	vperm.xlane v3, v2;
	s25 =	simm.s32 $0x4900  }
0xc6: {  	[tilespmem:s25], [sflag:$0x1] =	stream.indirect_vreg.gather [hbm4b:s5+s2], $0x80, v4, vm0, $0xb8;
	[tilespmem:$0x18100] =	vst v63  }
0xc7: {  	v3 =	vadd.s32 v1, v3;
	s25 =	simm.s32 $0x5100  }
0xc8: {  	[tilespmem:s25], [sflag:$0x1] =	stream.indirect_vreg.gather [hbm4b:s6+s2], $0x80, v4, vm0, $0xb8;
	[tilespmem:$0x18100] =	vst v63  }
0xc9: {  	s25 =	simm.s32 $0x5900  }
0xca: {  	[tilespmem:s25], [sflag:$0x1] =	stream.indirect_vreg.gather [hbm4b:s7+s2], $0x80, v4, vm0, $0xb8;
	[tilespmem:$0x18100] =	vst v63  }
0xcb: {  	s25 =	simm.s32 $0x6100  }
0xcc: {  	[tilespmem:s25], [sflag:$0x1] =	stream.indirect_vreg.gather [hbm4b:s4+s2], $0x80, v3, vm0, $0xb8;
	[tilespmem:$0x18100] =	vst v63  }
0xcd: {  	s25 =	simm.s32 $0x6900  }
0xce: {  	[tilespmem:s25], [sflag:$0x1] =	stream.indirect_vreg.gather [hbm4b:s5+s2], $0x80, v3, vm0, $0xb8;
	[tilespmem:$0x18100] =	vst v63  }
0xcf: {  	s25 =	simm.s32 $0x7100  }
0xd0: {  	[tilespmem:s25], [sflag:$0x1] =	stream.indirect_vreg.gather [hbm4b:s6+s2], $0x80, v3, vm0, $0xb8;
	[tilespmem:$0x18100] =	vst v63  }
0xd1: {  	s25 =	simm.s32 $0x7900  }
0xd2: {  	[tilespmem:s25], [sflag:$0x1] =	stream.indirect_vreg.gather [hbm4b:s7+s2], $0x80, v3, vm0, $0xb8;
	[tilespmem:$0x18100] =	vst v63  }
0xd3: {  	_ =	swait.ge [sflag:s31], $0x8000  }
0xd4: {  	[sflag:s31] =	ssyncset.done $0x0  }
0xd5: {  	s25 =	rddreg [dreg:$0x5];
	[sflag:s31] =	ssyncadd.s32 $0xFFFF8000  }
0xd6: {  	[hbm4b:s25+s2] =	stream.linear.scatter [tilespmem:s1], [sflag:$0x6], $0x8000, $0x38;
	[tilespmem:$0x18100] =	vst v63  }
0xd7: {  	_ =	swait.ge [sflag:s23], $0x8000  }
0xd8: {  	[sflag:s23] =	ssyncset.done $0x0  }
0xd9: {  	[sflag:s23] =	ssyncadd.s32 $0xFFFF8000  }
0xda: {  	v3 =	vld [tilespmem:$0x80];
	_ =	sdelay $0x4  }
0xdb: {  	v56 =	vshll.u32 v3, $0x3  }
0xdc: {  	v3 =	vand.u32 $0x7, v3;
	v4 =	vand.u32 $0xFFFFFFC0, v56  }
0xdd: {  	v3 =	vor.u32 v3, v4  }
0xde: {  	v4 =	vperm.xlane v3, v0;
	_ =	sdelay $0x1  }
0xdf: {  	v4 =	vadd.s32 v1, v4;
	_ =	sdelay $0x4  }
0xe0: {  	[tilespmem:s0], [sflag:$0x2] =	stream.indirect_vreg.gather [hbm4b:s4+s2], $0x80, v4, vm0, $0xb8;
	[tilespmem:$0x18100] =	vst v63  }
0xe1: {  	s25 =	simm.s32 $0x8900;
	v3 =	vperm.xlane v3, v2  }
0xe2: {  	[tilespmem:s25], [sflag:$0x2] =	stream.indirect_vreg.gather [hbm4b:s5+s2], $0x80, v4, vm0, $0xb8;
	[tilespmem:$0x18100] =	vst v63  }
0xe3: {  	v3 =	vadd.s32 v1, v3;
	s25 =	simm.s32 $0x9100  }
0xe4: {  	[tilespmem:s25], [sflag:$0x2] =	stream.indirect_vreg.gather [hbm4b:s6+s2], $0x80, v4, vm0, $0xb8;
	[tilespmem:$0x18100] =	vst v63  }
0xe5: {  	s25 =	simm.s32 $0x9900  }
0xe6: {  	[tilespmem:s25], [sflag:$0x2] =	stream.indirect_vreg.gather [hbm4b:s7+s2], $0x80, v4, vm0, $0xb8;
	[tilespmem:$0x18100] =	vst v63  }
0xe7: {  	s25 =	simm.s32 $0xA100  }
0xe8: {  	[tilespmem:s25], [sflag:$0x2] =	stream.indirect_vreg.gather [hbm4b:s4+s2], $0x80, v3, vm0, $0xb8;
	[tilespmem:$0x18100] =	vst v63  }
0xe9: {  	s25 =	simm.s32 $0xA900  }
0xea: {  	[tilespmem:s25], [sflag:$0x2] =	stream.indirect_vreg.gather [hbm4b:s5+s2], $0x80, v3, vm0, $0xb8;
	[tilespmem:$0x18100] =	vst v63  }
0xeb: {  	s25 =	simm.s32 $0xB100  }
0xec: {  	[tilespmem:s25], [sflag:$0x2] =	stream.indirect_vreg.gather [hbm4b:s6+s2], $0x80, v3, vm0, $0xb8;
	[tilespmem:$0x18100] =	vst v63  }
0xed: {  	s25 =	simm.s32 $0xB900  }
0xee: {  	[tilespmem:s25], [sflag:$0x2] =	stream.indirect_vreg.gather [hbm4b:s7+s2], $0x80, v3, vm0, $0xb8;
	[tilespmem:$0x18100] =	vst v63  }
0xef: {  	v3 =	vld [tilespmem:$0x90];
	_ =	sdelay $0x4  }
0xf0: {  	v57 =	vshll.u32 v3, $0x3  }
0xf1: {  	v3 =	vand.u32 $0x7, v3;
	v4 =	vand.u32 $0xFFFFFFC0, v57  }
0xf2: {  	v3 =	vor.u32 v3, v4  }
0xf3: {  	v4 =	vperm.xlane v3, v0;
	_ =	sdelay $0x1  }
0xf4: {  	v4 =	vadd.s32 v1, v4;
	_ =	sdelay $0x3  }
0xf5: {  	s25 =	simm.s32 $0xC100  }
0xf6: {  	[tilespmem:s25], [sflag:$0x2] =	stream.indirect_vreg.gather [hbm4b:s4+s2], $0x80, v4, vm0, $0xb8;
	[tilespmem:$0x18100] =	vst v63  }
0xf7: {  	v3 =	vperm.xlane v3, v2;
	s25 =	simm.s32 $0xC900  }
0xf8: {  	[tilespmem:s25], [sflag:$0x2] =	stream.indirect_vreg.gather [hbm4b:s5+s2], $0x80, v4, vm0, $0xb8;
	[tilespmem:$0x18100] =	vst v63  }
0xf9: {  	v3 =	vadd.s32 v1, v3;
	s25 =	simm.s32 $0xD100  }
0xfa: {  	[tilespmem:s25], [sflag:$0x2] =	stream.indirect_vreg.gather [hbm4b:s6+s2], $0x80, v4, vm0, $0xb8;
	[tilespmem:$0x18100] =	vst v63  }
0xfb: {  	s25 =	simm.s32 $0xD900  }
0xfc: {  	[tilespmem:s25], [sflag:$0x2] =	stream.indirect_vreg.gather [hbm4b:s7+s2], $0x80, v4, vm0, $0xb8;
	[tilespmem:$0x18100] =	vst v63  }
0xfd: {  	s25 =	simm.s32 $0xE100  }
0xfe: {  	[tilespmem:s25], [sflag:$0x2] =	stream.indirect_vreg.gather [hbm4b:s4+s2], $0x80, v3, vm0, $0xb8;
	[tilespmem:$0x18100] =	vst v63  }
0xff: {  	s25 =	simm.s32 $0xE900  }
0x100: {  	[tilespmem:s25], [sflag:$0x2] =	stream.indirect_vreg.gather [hbm4b:s5+s2], $0x80, v3, vm0, $0xb8;
	[tilespmem:$0x18100] =	vst v63  }
0x101: {  	s25 =	simm.s32 $0xF100  }
0x102: {  	[tilespmem:s25], [sflag:$0x2] =	stream.indirect_vreg.gather [hbm4b:s6+s2], $0x80, v3, vm0, $0xb8;
	[tilespmem:$0x18100] =	vst v63  }
0x103: {  	s25 =	simm.s32 $0xF900  }
0x104: {  	[tilespmem:s25], [sflag:$0x2] =	stream.indirect_vreg.gather [hbm4b:s7+s2], $0x80, v3, vm0, $0xb8;
	[tilespmem:$0x18100] =	vst v63  }
0x105: {  	_ =	swait.ge [sflag:s18], $0x8000  }
0x106: {  	[sflag:s18] =	ssyncset.done $0x0  }
0x107: {  	s25 =	rddreg [dreg:$0x6];
	[sflag:s18] =	ssyncadd.s32 $0xFFFF8000  }
0x108: {  	[hbm4b:s25+s2] =	stream.linear.scatter [tilespmem:s26], [sflag:$0x4], $0x8000, $0x38;
	[tilespmem:$0x18100] =	vst v63  }
0x109: {  	_ =	swait.ge [sflag:s24], $0x8000  }
0x10a: {  	[sflag:s24] =	ssyncset.done $0x0  }
0x10b: {  	[sflag:s24] =	ssyncadd.s32 $0xFFFF8000  }
0x10c: {  	v3 =	vld [tilespmem:$0xA0];
	_ =	sdelay $0x4  }
0x10d: {  	v58 =	vshll.u32 v3, $0x3  }
0x10e: {  	v3 =	vand.u32 $0x7, v3;
	v4 =	vand.u32 $0xFFFFFFC0, v58  }
0x10f: {  	v3 =	vor.u32 v3, v4  }
0x110: {  	v4 =	vperm.xlane v3, v0;
	_ =	sdelay $0x1  }
0x111: {  	v4 =	vadd.s32 v1, v4;
	_ =	sdelay $0x4  }
0x112: {  	[tilespmem:s1], [sflag:$0x3] =	stream.indirect_vreg.gather [hbm4b:s4+s2], $0x80, v4, vm0, $0xb8;
	[tilespmem:$0x18100] =	vst v63  }
0x113: {  	v3 =	vperm.xlane v3, v2  }
0x114: {  	[tilespmem:s3], [sflag:$0x3] =	stream.indirect_vreg.gather [hbm4b:s5+s2], $0x80, v4, vm0, $0xb8;
	[tilespmem:$0x18100] =	vst v63  }
0x115: {  	v3 =	vadd.s32 v1, v3  }
0x116: {  	[tilespmem:s9], [sflag:$0x3] =	stream.indirect_vreg.gather [hbm4b:s6+s2], $0x80, v4, vm0, $0xb8;
	[tilespmem:$0x18100] =	vst v63  }
0x117: {  	_ = 	snop  }
0x118: {  	[tilespmem:s10], [sflag:$0x3] =	stream.indirect_vreg.gather [hbm4b:s7+s2], $0x80, v4, vm0, $0xb8;
	[tilespmem:$0x18100] =	vst v63  }
0x119: {  	_ = 	snop  }
0x11a: {  	[tilespmem:s11], [sflag:$0x3] =	stream.indirect_vreg.gather [hbm4b:s4+s2], $0x80, v3, vm0, $0xb8;
	[tilespmem:$0x18100] =	vst v63  }
0x11b: {  	_ = 	snop  }
0x11c: {  	[tilespmem:s12], [sflag:$0x3] =	stream.indirect_vreg.gather [hbm4b:s5+s2], $0x80, v3, vm0, $0xb8;
	[tilespmem:$0x18100] =	vst v63  }
0x11d: {  	_ = 	snop  }
0x11e: {  	[tilespmem:s13], [sflag:$0x3] =	stream.indirect_vreg.gather [hbm4b:s6+s2], $0x80, v3, vm0, $0xb8;
	[tilespmem:$0x18100] =	vst v63  }
0x11f: {  	_ = 	snop  }
0x120: {  	[tilespmem:s14], [sflag:$0x3] =	stream.indirect_vreg.gather [hbm4b:s7+s2], $0x80, v3, vm0, $0xb8;
	[tilespmem:$0x18100] =	vst v63  }
0x121: {  	v3 =	vld [tilespmem:$0xB0];
	_ =	sdelay $0x4  }
0x122: {  	v59 =	vshll.u32 v3, $0x3  }
0x123: {  	v3 =	vand.u32 $0x7, v3;
	v4 =	vand.u32 $0xFFFFFFC0, v59  }
0x124: {  	v3 =	vor.u32 v3, v4  }
0x125: {  	v4 =	vperm.xlane v3, v0;
	_ =	sdelay $0x1  }
0x126: {  	v4 =	vadd.s32 v1, v4;
	_ =	sdelay $0x4  }
0x127: {  	[tilespmem:s15], [sflag:$0x3] =	stream.indirect_vreg.gather [hbm4b:s4+s2], $0x80, v4, vm0, $0xb8;
	[tilespmem:$0x18100] =	vst v63  }
0x128: {  	v3 =	vperm.xlane v3, v2  }
0x129: {  	[tilespmem:s16], [sflag:$0x3] =	stream.indirect_vreg.gather [hbm4b:s5+s2], $0x80, v4, vm0, $0xb8;
	[tilespmem:$0x18100] =	vst v63  }
0x12a: {  	v3 =	vadd.s32 v1, v3  }
0x12b: {  	[tilespmem:s17], [sflag:$0x3] =	stream.indirect_vreg.gather [hbm4b:s6+s2], $0x80, v4, vm0, $0xb8;
	[tilespmem:$0x18100] =	vst v63  }
0x12c: {  	_ = 	snop  }
0x12d: {  	[tilespmem:s19], [sflag:$0x3] =	stream.indirect_vreg.gather [hbm4b:s7+s2], $0x80, v4, vm0, $0xb8;
	[tilespmem:$0x18100] =	vst v63  }
0x12e: {  	_ = 	snop  }
0x12f: {  	[tilespmem:s22], [sflag:$0x3] =	stream.indirect_vreg.gather [hbm4b:s4+s2], $0x80, v3, vm0, $0xb8;
	[tilespmem:$0x18100] =	vst v63  }
0x130: {  	_ = 	snop  }
0x131: {  	[tilespmem:s28], [sflag:$0x3] =	stream.indirect_vreg.gather [hbm4b:s5+s2], $0x80, v3, vm0, $0xb8;
	[tilespmem:$0x18100] =	vst v63  }
0x132: {  	_ = 	snop  }
0x133: {  	[tilespmem:s29], [sflag:$0x3] =	stream.indirect_vreg.gather [hbm4b:s6+s2], $0x80, v3, vm0, $0xb8;
	[tilespmem:$0x18100] =	vst v63  }
0x134: {  	_ = 	snop  }
0x135: {  	[tilespmem:s30], [sflag:$0x3] =	stream.indirect_vreg.gather [hbm4b:s7+s2], $0x80, v3, vm0, $0xb8;
	[tilespmem:$0x18100] =	vst v63  }
0x136: {  	_ =	swait.ge [sflag:s20], $0x8000  }
0x137: {  	[sflag:s20] =	ssyncset.done $0x0  }
0x138: {  	s3 =	rddreg [dreg:$0x7];
	[sflag:s20] =	ssyncadd.s32 $0xFFFF8000  }
0x139: {  	[hbm4b:s3+s2] =	stream.linear.scatter [tilespmem:s0], [sflag:$0x5], $0x8000, $0x38;
	[tilespmem:$0x18100] =	vst v63  }
0x13a: {  	_ =	swait.ge [sflag:s21], $0x8000  }
0x13b: {  	[sflag:s21] =	ssyncset.done $0x0  }
0x13c: {  	[sflag:s21] =	ssyncadd.s32 $0xFFFF8000  }
0x13d: {  	v3 =	vld [tilespmem:$0xC0];
	_ =	sdelay $0x4  }
0x13e: {  	v60 =	vshll.u32 v3, $0x3  }
0x13f: {  	v3 =	vand.u32 $0x7, v3;
	v4 =	vand.u32 $0xFFFFFFC0, v60  }
0x140: {  	v3 =	vor.u32 v3, v4  }
0x141: {  	v4 =	vperm.xlane v3, v0;
	_ =	sdelay $0x1  }
0x142: {  	v4 =	vadd.s32 v1, v4;
	_ =	sdelay $0x4  }
0x143: {  	[tilespmem:s26], [sflag:$0x1] =	stream.indirect_vreg.gather [hbm4b:s4+s2], $0x80, v4, vm0, $0xb8;
	[tilespmem:$0x18100] =	vst v63  }
0x144: {  	s25 =	simm.s32 $0x900;
	v3 =	vperm.xlane v3, v2  }
0x145: {  	[tilespmem:s25], [sflag:$0x1] =	stream.indirect_vreg.gather [hbm4b:s5+s2], $0x80, v4, vm0, $0xb8;
	[tilespmem:$0x18100] =	vst v63  }
0x146: {  	v3 =	vadd.s32 v1, v3;
	s25 =	simm.s32 $0x1100  }
0x147: {  	[tilespmem:s25], [sflag:$0x1] =	stream.indirect_vreg.gather [hbm4b:s6+s2], $0x80, v4, vm0, $0xb8;
	[tilespmem:$0x18100] =	vst v63  }
0x148: {  	s25 =	simm.s32 $0x1900  }
0x149: {  	[tilespmem:s25], [sflag:$0x1] =	stream.indirect_vreg.gather [hbm4b:s7+s2], $0x80, v4, vm0, $0xb8;
	[tilespmem:$0x18100] =	vst v63  }
0x14a: {  	s25 =	simm.s32 $0x2100  }
0x14b: {  	[tilespmem:s25], [sflag:$0x1] =	stream.indirect_vreg.gather [hbm4b:s4+s2], $0x80, v3, vm0, $0xb8;
	[tilespmem:$0x18100] =	vst v63  }
0x14c: {  	s25 =	simm.s32 $0x2900  }
0x14d: {  	[tilespmem:s25], [sflag:$0x1] =	stream.indirect_vreg.gather [hbm4b:s5+s2], $0x80, v3, vm0, $0xb8;
	[tilespmem:$0x18100] =	vst v63  }
0x14e: {  	s25 =	simm.s32 $0x3100  }
0x14f: {  	[tilespmem:s25], [sflag:$0x1] =	stream.indirect_vreg.gather [hbm4b:s6+s2], $0x80, v3, vm0, $0xb8;
	[tilespmem:$0x18100] =	vst v63  }
0x150: {  	s25 =	simm.s32 $0x3900  }
0x151: {  	[tilespmem:s25], [sflag:$0x1] =	stream.indirect_vreg.gather [hbm4b:s7+s2], $0x80, v3, vm0, $0xb8;
	[tilespmem:$0x18100] =	vst v63  }
0x152: {  	v3 =	vld [tilespmem:$0xD0];
	_ =	sdelay $0x4  }
0x153: {  	v61 =	vshll.u32 v3, $0x3  }
0x154: {  	v3 =	vand.u32 $0x7, v3;
	v4 =	vand.u32 $0xFFFFFFC0, v61  }
0x155: {  	v3 =	vor.u32 v3, v4  }
0x156: {  	v4 =	vperm.xlane v3, v0;
	_ =	sdelay $0x1  }
0x157: {  	v4 =	vadd.s32 v1, v4;
	_ =	sdelay $0x3  }
0x158: {  	s25 =	simm.s32 $0x4100  }
0x159: {  	[tilespmem:s25], [sflag:$0x1] =	stream.indirect_vreg.gather [hbm4b:s4+s2], $0x80, v4, vm0, $0xb8;
	[tilespmem:$0x18100] =	vst v63  }
0x15a: {  	v3 =	vperm.xlane v3, v2;
	s25 =	simm.s32 $0x4900  }
0x15b: {  	[tilespmem:s25], [sflag:$0x1] =	stream.indirect_vreg.gather [hbm4b:s5+s2], $0x80, v4, vm0, $0xb8;
	[tilespmem:$0x18100] =	vst v63  }
0x15c: {  	v3 =	vadd.s32 v1, v3;
	s25 =	simm.s32 $0x5100  }
0x15d: {  	[tilespmem:s25], [sflag:$0x1] =	stream.indirect_vreg.gather [hbm4b:s6+s2], $0x80, v4, vm0, $0xb8;
	[tilespmem:$0x18100] =	vst v63  }
0x15e: {  	s25 =	simm.s32 $0x5900  }
0x15f: {  	[tilespmem:s25], [sflag:$0x1] =	stream.indirect_vreg.gather [hbm4b:s7+s2], $0x80, v4, vm0, $0xb8;
	[tilespmem:$0x18100] =	vst v63  }
0x160: {  	s25 =	simm.s32 $0x6100  }
0x161: {  	[tilespmem:s25], [sflag:$0x1] =	stream.indirect_vreg.gather [hbm4b:s4+s2], $0x80, v3, vm0, $0xb8;
	[tilespmem:$0x18100] =	vst v63  }
0x162: {  	s25 =	simm.s32 $0x6900  }
0x163: {  	[tilespmem:s25], [sflag:$0x1] =	stream.indirect_vreg.gather [hbm4b:s5+s2], $0x80, v3, vm0, $0xb8;
	[tilespmem:$0x18100] =	vst v63  }
0x164: {  	s25 =	simm.s32 $0x7100  }
0x165: {  	[tilespmem:s25], [sflag:$0x1] =	stream.indirect_vreg.gather [hbm4b:s6+s2], $0x80, v3, vm0, $0xb8;
	[tilespmem:$0x18100] =	vst v63  }
0x166: {  	s25 =	simm.s32 $0x7900  }
0x167: {  	[tilespmem:s25], [sflag:$0x1] =	stream.indirect_vreg.gather [hbm4b:s7+s2], $0x80, v3, vm0, $0xb8;
	[tilespmem:$0x18100] =	vst v63  }
0x168: {  	_ =	swait.ge [sflag:s31], $0x8000  }
0x169: {  	[sflag:s31] =	ssyncset.done $0x0  }
0x16a: {  	s3 =	rddreg [dreg:$0x8];
	[sflag:s31] =	ssyncadd.s32 $0xFFFF8000  }
0x16b: {  	[hbm4b:s3+s2] =	stream.linear.scatter [tilespmem:s1], [sflag:$0x6], $0x8000, $0x38;
	[tilespmem:$0x18100] =	vst v63  }
0x16c: {  	_ =	swait.ge [sflag:s23], $0x8000  }
0x16d: {  	[sflag:s23] =	ssyncset.done $0x0  }
0x16e: {  	[sflag:s23] =	ssyncadd.s32 $0xFFFF8000  }
0x16f: {  	v3 =	vld [tilespmem:$0xE0];
	_ =	sdelay $0x4  }
0x170: {  	v62 =	vshll.u32 v3, $0x3  }
0x171: {  	v3 =	vand.u32 $0x7, v3;
	v4 =	vand.u32 $0xFFFFFFC0, v62  }
0x172: {  	v3 =	vor.u32 v3, v4  }
0x173: {  	v4 =	vperm.xlane v3, v0;
	_ =	sdelay $0x1  }
0x174: {  	v4 =	vadd.s32 v1, v4;
	_ =	sdelay $0x4  }
0x175: {  	[tilespmem:s0], [sflag:$0x2] =	stream.indirect_vreg.gather [hbm4b:s4+s2], $0x80, v4, vm0, $0xb8;
	[tilespmem:$0x18100] =	vst v63  }
0x176: {  	s25 =	simm.s32 $0x8900;
	v3 =	vperm.xlane v3, v2  }
0x177: {  	[tilespmem:s25], [sflag:$0x2] =	stream.indirect_vreg.gather [hbm4b:s5+s2], $0x80, v4, vm0, $0xb8;
	[tilespmem:$0x18100] =	vst v63  }
0x178: {  	s3 =	simm.s32 $0x9100;
	v3 =	vadd.s32 v1, v3  }
0x179: {  	[tilespmem:s3], [sflag:$0x2] =	stream.indirect_vreg.gather [hbm4b:s6+s2], $0x80, v4, vm0, $0xb8;
	[tilespmem:$0x18100] =	vst v63  }
0x17a: {  	s25 =	simm.s32 $0x9900  }
0x17b: {  	[tilespmem:s25], [sflag:$0x2] =	stream.indirect_vreg.gather [hbm4b:s7+s2], $0x80, v4, vm0, $0xb8;
	[tilespmem:$0x18100] =	vst v63  }
0x17c: {  	s3 =	simm.s32 $0xA100  }
0x17d: {  	[tilespmem:s3], [sflag:$0x2] =	stream.indirect_vreg.gather [hbm4b:s4+s2], $0x80, v3, vm0, $0xb8;
	[tilespmem:$0x18100] =	vst v63  }
0x17e: {  	s25 =	simm.s32 $0xA900  }
0x17f: {  	[tilespmem:s25], [sflag:$0x2] =	stream.indirect_vreg.gather [hbm4b:s5+s2], $0x80, v3, vm0, $0xb8;
	[tilespmem:$0x18100] =	vst v63  }
0x180: {  	s3 =	simm.s32 $0xB100  }
0x181: {  	[tilespmem:s3], [sflag:$0x2] =	stream.indirect_vreg.gather [hbm4b:s6+s2], $0x80, v3, vm0, $0xb8;
	[tilespmem:$0x18100] =	vst v63  }
0x182: {  	s25 =	simm.s32 $0xB900  }
0x183: {  	[tilespmem:s25], [sflag:$0x2] =	stream.indirect_vreg.gather [hbm4b:s7+s2], $0x80, v3, vm0, $0xb8;
	[tilespmem:$0x18100] =	vst v63  }
0x184: {  	v3 =	vld [tilespmem:$0xF0];
	_ =	sdelay $0x4  }
0x185: {  	v63 =	vshll.u32 v3, $0x3  }
0x186: {  	v3 =	vand.u32 $0x7, v3;
	v4 =	vand.u32 $0xFFFFFFC0, v63  }
0x187: {  	v3 =	vor.u32 v3, v4  }
0x188: {  	v4 =	vperm.xlane v3, v0;
	_ =	sdelay $0x1  }
0x189: {  	v4 =	vadd.s32 v1, v4;
	_ =	sdelay $0x3  }
0x18a: {  	s3 =	simm.s32 $0xC100  }
0x18b: {  	[tilespmem:s3], [sflag:$0x2] =	stream.indirect_vreg.gather [hbm4b:s4+s2], $0x80, v4, vm0, $0xb8;
	[tilespmem:$0x18100] =	vst v63  }
0x18c: {  	s25 =	simm.s32 $0xC900;
	v3 =	vperm.xlane v3, v2  }
0x18d: {  	[tilespmem:s25], [sflag:$0x2] =	stream.indirect_vreg.gather [hbm4b:s5+s2], $0x80, v4, vm0, $0xb8;
	[tilespmem:$0x18100] =	vst v63  }
0x18e: {  	v3 =	vadd.s32 v1, v3;
	s3 =	simm.s32 $0xD100  }
0x18f: {  	[tilespmem:s3], [sflag:$0x2] =	stream.indirect_vreg.gather [hbm4b:s6+s2], $0x80, v4, vm0, $0xb8;
	[tilespmem:$0x18100] =	vst v63  }
0x190: {  	s25 =	simm.s32 $0xD900  }
0x191: {  	[tilespmem:s25], [sflag:$0x2] =	stream.indirect_vreg.gather [hbm4b:s7+s2], $0x80, v4, vm0, $0xb8;
	[tilespmem:$0x18100] =	vst v63  }
0x192: {  	s3 =	simm.s32 $0xE100  }
0x193: {  	[tilespmem:s3], [sflag:$0x2] =	stream.indirect_vreg.gather [hbm4b:s4+s2], $0x80, v3, vm0, $0xb8;
	[tilespmem:$0x18100] =	vst v63  }
0x194: {  	s25 =	simm.s32 $0xE900  }
0x195: {  	[tilespmem:s25], [sflag:$0x2] =	stream.indirect_vreg.gather [hbm4b:s5+s2], $0x80, v3, vm0, $0xb8;
	[tilespmem:$0x18100] =	vst v63  }
0x196: {  	s3 =	simm.s32 $0xF100  }
0x197: {  	[tilespmem:s3], [sflag:$0x2] =	stream.indirect_vreg.gather [hbm4b:s6+s2], $0x80, v3, vm0, $0xb8;
	[tilespmem:$0x18100] =	vst v63  }
0x198: {  	s25 =	simm.s32 $0xF900  }
0x199: {  	[tilespmem:s25], [sflag:$0x2] =	stream.indirect_vreg.gather [hbm4b:s7+s2], $0x80, v3, vm0, $0xb8;
	[tilespmem:$0x18100] =	vst v63  }
0x19a: {  	_ =	swait.ge [sflag:s18], $0x8000  }
0x19b: {  	[sflag:s18] =	ssyncset.done $0x0  }
0x19c: {  	s1 =	rddreg [dreg:$0x9];
	[sflag:s18] =	ssyncadd.s32 $0xFFFF8000  }
0x19d: {  	[hbm4b:s1+s2] =	stream.linear.scatter [tilespmem:s26], [sflag:$0x4], $0x8000, $0x38;
	[tilespmem:$0x18100] =	vst v63  }
0x19e: {  	_ =	swait.ge [sflag:s20], $0x8000  }
0x19f: {  	[sflag:s20] =	ssyncset.done $0x0  }
0x1a0: {  	s3 =	rddreg [dreg:$0xa];
	[sflag:s20] =	ssyncadd.s32 $0xFFFF8000  }
0x1a1: {  	[hbm4b:s3+s2] =	stream.linear.scatter [tilespmem:s0], [sflag:$0x5], $0x8000, $0x38;
	[tilespmem:$0x18100] =	vst v63  }
0x1a2: {  	_ =	swait.ge [sflag:s24], $0x8000  }
0x1a3: {  	[sflag:s24] =	ssyncset.done $0x0  }
0x1a4: {  	[sflag:s24] =	ssyncadd.s32 $0xFFFF8000  }
0x1a5: {  	p0 =	sne.s32 s8, $0x1;
	_ =	swait.ge [sflag:s21], $0x8000  }
.Ltmp0:
0x1a6: {  	[sflag:s21] =	ssyncset.done $0x0;
	(pc) =	sbr.rel @p0 .LBB2_1-.Ltmp0, $4  }
0x1a7: {  	[sflag:s21] =	ssyncadd.s32 $0xFFFF8000  }
0x1a8: {  	_ =	swait.ge [sflag:s23], $0x8000  }
0x1a9: {  	[sflag:s23] =	ssyncset.done $0x0  }
0x1aa: {  	s8 =	sadd.s32 $0xFFFFFFFF, s8;
	[sflag:s23] =	ssyncadd.s32 $0xFFFF8000  }
0x1ab: {  	_ =	sfence.sel $0x180000  }
0x1ac: {  	[bflag:$0x0] =	sbarrier.arrive $0xFFFF  }
0x1ad: {  	_ =	strace $0x9000004A  }
0x1ae: {  	s0 =	stileid.u32;
	[bflag:$0x2] =	sbarrier.arrive $0xFFFF  }
0x1af: {  	p0 =	sne.s32 s0, $0x0;
	s0 =	rddreg [dreg:$0x2]  }
0x1b0: {  	s0 =	sadd.s32 @!p0 $0x100000, s0  }
0x1b1: {  	[sflag:s0] =	ssyncadd.tile.s32 @!p0 $0x1;
	_ =	shalt  }
.Lfunc_end2:
_tile_overlayer_lowered:
.L_overlay_start_2:
0x1b2: {  	(tag) =	ssettag $0x2  }
0x1b3: {  	s0 =	rddreg [dreg:$0x0];
	s2 =	stileid.u32  }
0x1b4: {  	s1 =	rddreg [dreg:$0x1];
	p0 =	sne.s32 s2, $0x0  }
0x1b5: {  	s3 =	rddreg [dreg:$0x2];
	[bflag:$0x3] =	sbarrier.arrive $0xFFFF;
	s2 =	simm.s32 @!p0 $0x1C07  }
0x1b6: {  	[timem:s3], [sflag:s2] =	dma.local @!p0 [hbm:s0], s1  }
0x1b7: {  	s0 =	simm.s32 @!p0 $0x7  }
0x1b8: {  	_ =	swait.ge @!p0 [sflag:s0], s1  }
0x1b9: {  	s1 =	ssub.s32 @!p0 $0x0, s1;
	[sflag:s0] =	ssyncset.done @!p0 $0x0  }
0x1ba: {  	[sflag:s0] =	ssyncadd.s32 @!p0 s1  }
0x1bb: {  	[bflag:$0x3] =	sbarrier.arrive $0xFFFF  }
0x1bc: {  	_ =	shalt  }

</sc_bundles>
